<compile_context>
chip_gen: v7x
topology: tpu7x:2x2x1
jax: 0.10.2.dev20260603
libtpu: 0.0.44.dev20260713+nightly
codegen_flags: <defaults>
</compile_context>

<pallas_src>
import functools

import jax
import jax.numpy as jnp
from jax import lax
from jax.experimental import pallas as pl
from jax.experimental.pallas import tpu as pltpu
from jax.experimental.pallas import tpu_sc as plsc

NC = 2
NS = 16
NW = NC * NS
CK = 128
BM = 256



def _sc_degree(dst_g, np_rows):
    _, ch, _ = dst_g.shape
    rpt = np_rows // NS
    mesh = plsc.VectorSubcoreMesh(core_axis_name="c", subcore_axis_name="s", num_cores=NC, num_subcores=NS)

    @functools.partial(
        pl.kernel,
        out_type=jax.ShapeDtypeStruct((NC, np_rows, 16), jnp.float32),
        mesh=mesh,
        compiler_params=pltpu.CompilerParams(use_tc_tiling_on_sc=False),
        scratch_types=[
            pltpu.VMEM((ch, CK), jnp.int32),
            pltpu.VMEM((CK, 16), jnp.float32),
            pltpu.VMEM((rpt, 16), jnp.float32),
            pltpu.VMEM_SHARED((np_rows, 16), jnp.float32),
            pltpu.SemaphoreType.DMA,
        ],
    )
    def deg_kernel(dst_hbm, out_hbm, dst_v, ones_v, zbuf, acc, sem):
        cid = lax.axis_index("c")
        sid = lax.axis_index("s")
        wid = cid * NS + sid

        @pl.loop(0, rpt)
        def _(r):
            zbuf.at[pl.ds(r, 1), pl.ds(0, 16)][...] = jnp.zeros(
                (1, 16), jnp.float32)

        @pl.loop(0, CK)
        def _(r):
            ones_v.at[pl.ds(r, 1), pl.ds(0, 16)][...] = jnp.ones(
                (1, 16), jnp.float32)

        pltpu.sync_copy(zbuf, acc.at[pl.ds(sid * rpt, rpt)])
        pltpu.async_copy(dst_hbm.at[wid], dst_v, sem).wait()
        plsc.subcore_barrier()

        @pl.loop(0, ch)
        def _(j):
            pltpu.sync_copy(ones_v, acc.at[dst_v.at[j]], add=True)

        plsc.subcore_barrier()
        pltpu.sync_copy(acc.at[pl.ds(sid * rpt, rpt)],
                        out_hbm.at[cid, pl.ds(sid * rpt, rpt)])

    return deg_kernel(dst_g)


def _sc_aggregate(y, src_g, dst_g):
    np_rows, d = y.shape
    _, ch, _ = src_g.shape
    assert ch % 2 == 1, "double-buffered loop expects an odd chunk count"
    rpt = np_rows // NS
    zb = 16
    mesh = plsc.VectorSubcoreMesh(core_axis_name="c", subcore_axis_name="s", num_cores=NC, num_subcores=NS)

    @functools.partial(
        pl.kernel,
        out_type=jax.ShapeDtypeStruct((NC, np_rows, d), jnp.float32),
        mesh=mesh,
        compiler_params=pltpu.CompilerParams(use_tc_tiling_on_sc=False),
        scratch_types=[
            pltpu.VMEM((ch, CK), jnp.int32),
            pltpu.VMEM((2, CK), jnp.int32),
            pltpu.VMEM((CK, d), jnp.float32),
            pltpu.VMEM((CK, d), jnp.float32),
            pltpu.VMEM((zb, d), jnp.float32),
            pltpu.VMEM_SHARED((np_rows, d), jnp.float32),
            pltpu.SemaphoreType.DMA,
            pltpu.SemaphoreType.DMA,
            pltpu.SemaphoreType.DMA,
        ],
    )
    def agg_kernel(y_hbm, src_hbm, dst_hbm, out_hbm,
                   src_v, dst_v, rows0_v, rows1_v, zbuf, acc,
                   sem0, sem1, semi):
        cid = lax.axis_index("c")
        sid = lax.axis_index("s")
        wid = cid * NS + sid

        @pl.loop(0, zb)
        def _(r):
            @pl.loop(0, d, step=16)
            def _(c):
                zbuf.at[pl.ds(r, 1), pl.ds(c, 16)][...] = jnp.zeros(
                    (1, 16), jnp.float32)

        @pl.loop(0, rpt, step=zb)
        def _(r0):
            pltpu.sync_copy(zbuf, acc.at[pl.ds(sid * rpt + r0, zb)])

        pltpu.async_copy(src_hbm.at[wid], src_v, sem0).wait()
        plsc.subcore_barrier()

        pltpu.sync_copy(dst_hbm.at[wid, pl.ds(0, 1)], dst_v.at[pl.ds(0, 1)])
        pltpu.async_copy(y_hbm.at[src_v.at[0]], rows0_v, sem0)

        @pl.loop(0, ch - 1, step=2)
        def _(j):
            pltpu.async_copy(dst_hbm.at[wid, pl.ds(j + 1, 1)],
                             dst_v.at[pl.ds(1, 1)], semi)
            pltpu.make_async_copy(y_hbm.at[src_v.at[j]], rows0_v, sem0).wait()
            pltpu.async_copy(y_hbm.at[src_v.at[j + 1]], rows1_v, sem1)
            pltpu.sync_copy(rows0_v, acc.at[dst_v.at[0]], add=True)
            pltpu.make_async_copy(dst_hbm.at[wid, pl.ds(j + 1, 1)],
                                  dst_v.at[pl.ds(1, 1)], semi).wait()
            pltpu.async_copy(dst_hbm.at[wid, pl.ds(j + 2, 1)],
                             dst_v.at[pl.ds(0, 1)], semi)
            pltpu.make_async_copy(
                y_hbm.at[src_v.at[j + 1]], rows1_v, sem1).wait()
            pltpu.async_copy(y_hbm.at[src_v.at[j + 2]], rows0_v, sem0)
            pltpu.sync_copy(rows1_v, acc.at[dst_v.at[1]], add=True)
            pltpu.make_async_copy(dst_hbm.at[wid, pl.ds(j + 2, 1)],
                                  dst_v.at[pl.ds(0, 1)], semi).wait()

        pltpu.make_async_copy(
            y_hbm.at[src_v.at[ch - 1]], rows0_v, sem0).wait()
        pltpu.sync_copy(rows0_v, acc.at[dst_v.at[0]], add=True)

        plsc.subcore_barrier()
        pltpu.sync_copy(acc.at[pl.ds(sid * rpt, rpt)],
                        out_hbm.at[cid, pl.ds(sid * rpt, rpt)])

    return agg_kernel(y, src_g, dst_g)



def _mm_body(x_ref, w_ref, o_ref):
    o_ref[...] = jnp.dot(x_ref[...], w_ref[...],
                         preferred_element_type=jnp.float32)


def _tc_matmul(x, w):
    np_rows, k = x.shape
    dout = w.shape[1]
    return pl.pallas_call(
        _mm_body,
        grid=(np_rows // BM,),
        in_specs=[pl.BlockSpec((BM, k), lambda i: (i, 0)),
                  pl.BlockSpec((k, dout), lambda i: (0, 0))],
        out_specs=pl.BlockSpec((BM, dout), lambda i: (i, 0)),
        out_shape=jax.ShapeDtypeStruct((np_rows, dout), jnp.float32),
    )(x, w)


def _tc_scale1(xw, degacc, n_real):
    np_rows, d = xw.shape

    def body(xw_ref, dacc_ref, y_ref, s_ref, dinv_ref):
        i = pl.program_id(0)
        deg = dacc_ref[0][:, 0:1] + dacc_ref[1][:, 0:1] + 1.0
        dinv = lax.rsqrt(deg)
        row = lax.broadcasted_iota(jnp.int32, (BM, 1), 0) + i * BM
        dinv = jnp.where(row < n_real, dinv, 0.0)
        y = xw_ref[...] * dinv
        y_ref[...] = y
        s_ref[...] = y * dinv
        dinv_ref[...] = dinv

    return pl.pallas_call(
        body,
        grid=(np_rows // BM,),
        in_specs=[pl.BlockSpec((BM, d), lambda i: (i, 0)),
                  pl.BlockSpec((NC, BM, 16), lambda i: (0, i, 0))],
        out_specs=[pl.BlockSpec((BM, d), lambda i: (i, 0)),
                   pl.BlockSpec((BM, d), lambda i: (i, 0)),
                   pl.BlockSpec((BM, 1), lambda i: (i, 0))],
        out_shape=[jax.ShapeDtypeStruct((np_rows, d), jnp.float32),
                   jax.ShapeDtypeStruct((np_rows, d), jnp.float32),
                   jax.ShapeDtypeStruct((np_rows, 1), jnp.float32)],
    )(xw, degacc)


def _tc_mid(agg, self1, dinv, b1, w2, n_real):
    _, np_rows, d = agg.shape
    d2 = w2.shape[1]

    def body(agg_ref, s1_ref, dinv_ref, b1_ref, w2_ref, y2_ref, s2_ref):
        i = pl.program_id(0)
        dv = dinv_ref[...]
        h = (agg_ref[0] + agg_ref[1]) * dv + s1_ref[...] + b1_ref[...]
        h = jnp.maximum(h, 0.0)
        row = lax.broadcasted_iota(jnp.int32, (BM, 1), 0) + i * BM
        h = jnp.where(row < n_real, h, 0.0)
        xw2 = jnp.dot(h, w2_ref[...], preferred_element_type=jnp.float32)
        y2 = xw2 * dv
        y2_ref[...] = y2
        s2_ref[...] = y2 * dv

    return pl.pallas_call(
        body,
        grid=(np_rows // BM,),
        in_specs=[pl.BlockSpec((NC, BM, d), lambda i: (0, i, 0)),
                  pl.BlockSpec((BM, d), lambda i: (i, 0)),
                  pl.BlockSpec((BM, 1), lambda i: (i, 0)),
                  pl.BlockSpec((1, d), lambda i: (0, 0)),
                  pl.BlockSpec((d, d2), lambda i: (0, 0))],
        out_specs=[pl.BlockSpec((BM, d2), lambda i: (i, 0)),
                   pl.BlockSpec((BM, d2), lambda i: (i, 0))],
        out_shape=[jax.ShapeDtypeStruct((np_rows, d2), jnp.float32),
                   jax.ShapeDtypeStruct((np_rows, d2), jnp.float32)],
    )(agg, self1, dinv, b1, w2)


def _tc_final(agg, self2, dinv, b2):
    _, np_rows, d2 = agg.shape

    def body(agg_ref, s2_ref, dinv_ref, b2_ref, o_ref):
        o = ((agg_ref[0] + agg_ref[1]) * dinv_ref[...]
             + s2_ref[...] + b2_ref[...])
        m = jnp.max(o, axis=1, keepdims=True)
        z = o - m
        lse = jnp.log(jnp.sum(jnp.exp(z), axis=1, keepdims=True))
        o_ref[...] = z - lse

    return pl.pallas_call(
        body,
        grid=(np_rows // BM,),
        in_specs=[pl.BlockSpec((NC, BM, d2), lambda i: (0, i, 0)),
                  pl.BlockSpec((BM, d2), lambda i: (i, 0)),
                  pl.BlockSpec((BM, 1), lambda i: (i, 0)),
                  pl.BlockSpec((1, d2), lambda i: (0, 0))],
        out_specs=pl.BlockSpec((BM, d2), lambda i: (i, 0)),
        out_shape=jax.ShapeDtypeStruct((np_rows, d2), jnp.float32),
    )(agg, self2, dinv, b2)



def kernel(x, edge_index, W1, b1, W2, b2):
    n, d1 = x.shape
    e = edge_index.shape[1]
    ei = edge_index.astype(jnp.int32)

    ep = -(-e // (NW * CK)) * (NW * CK)
    pad_e = ep - e
    src = jnp.concatenate([ei[0], jnp.full((pad_e,), n, jnp.int32)])
    dst = jnp.concatenate([ei[1], jnp.full((pad_e,), n, jnp.int32)])
    ch = ep // (NW * CK)
    src_g = src.reshape(NW, ch, CK)
    dst_g = dst.reshape(NW, ch, CK)

    np_rows = -(-(n + 1) // 1024) * 1024
    x_pad = jnp.concatenate([x, jnp.zeros((np_rows - n, d1), x.dtype)])

    degacc = _sc_degree(dst_g, np_rows)
    xw1 = _tc_matmul(x_pad, W1)
    y1, self1, dinv = _tc_scale1(xw1, degacc, n)
    agg1 = _sc_aggregate(y1, src_g, dst_g)
    y2, self2 = _tc_mid(agg1, self1, dinv, b1.reshape(1, -1), W2, n)
    agg2 = _sc_aggregate(y2, src_g, dst_g)
    out = _tc_final(agg2, self2, dinv, b2.reshape(1, -1))
    return out[:n]

# --- scband reference (transcript-rebuilt; emitter-appended) ---
"""Pipeline reference for scband-gcn-22239340659171 (READ-ONLY COPY).

The authoritative reference and input builder live on the scoring server;
editing this copy changes nothing except your own understanding.
"""

import jax, jax.numpy as jnp
import numpy as np

N_NODES = 10000


def gcn_conv(x, edge_index, W, b):
    n = x.shape[0]
    x = x @ W
    src = edge_index[0]
    dst = edge_index[1]
    loop = jnp.arange(n, dtype=edge_index.dtype)
    src = jnp.concatenate([src, loop])
    dst = jnp.concatenate([dst, loop])
    deg = jnp.zeros((n,), dtype=x.dtype).at[dst].add(1.0)
    dinv = jnp.where(deg > 0, deg ** -0.5, 0.0)
    norm = dinv[src] * dinv[dst]
    msg = x[src] * norm[:, None]
    out = jnp.zeros((n, x.shape[1]), dtype=x.dtype).at[dst].add(msg)
    return out + b


def setup_inputs(seed: int = 0) -> dict:
    key = jax.random.key(seed)
    k1, k2, k3, k4, k5, k6 = jax.random.split(key, 6)
    x = jax.random.normal(k1, (N_NODES, 128), dtype=jnp.float32)
    edge_index = jax.random.randint(k2, (2, 320000), 0, N_NODES, dtype=jnp.int64)
    W1 = jax.random.normal(k3, (128, 128), dtype=jnp.float32) * (1.0 / np.sqrt(128.0))
    b1 = jnp.zeros((128,), dtype=jnp.float32)
    W2 = jax.random.normal(k4, (128, 64), dtype=jnp.float32) * (1.0 / np.sqrt(128.0))
    b2 = jnp.zeros((64,), dtype=jnp.float32)
    return {"x": x, "edge_index": edge_index, "W1": W1, "b1": b1, "W2": W2, "b2": b2}


def reference(x, edge_index, W1, b1, W2, b2):
    h = gcn_conv(x, edge_index, W1, b1)
    h = jax.nn.relu(h)
    # dropout p=0.2 is identity in eval mode
    out = gcn_conv(h, edge_index, W2, b2)
    return jax.nn.log_softmax(out, axis=1)

if __name__ == "__main__":
    import jax
    _d = setup_inputs()
    print(jax.jit(kernel)(*tuple(_d.values())))

</pallas_src>

<mosaic_0001>
#map = affine_map<(d0, d1) -> (0, 0)>
#map1 = affine_map<(d0, d1) -> (0, 0, 0)>
module attributes {stable_mosaic.version = 14 : i64} {
  func.func @agg_kernel(%arg0: i32, %arg1: i32, %arg2: memref<10240x128xf32, #tpu.memory_space<hbm>>, %arg3: memref<32x79x128xi32, #tpu.memory_space<hbm>>, %arg4: memref<32x79x128xi32, #tpu.memory_space<hbm>>, %arg5: memref<2x10240x128xf32, #tpu.memory_space<hbm>>, %arg6: memref<79x128xi32, #tpu.memory_space<vmem>>, %arg7: memref<2x128xi32, #tpu.memory_space<vmem>>, %arg8: memref<128x128xf32, #tpu.memory_space<vmem>>, %arg9: memref<128x128xf32, #tpu.memory_space<vmem>>, %arg10: memref<16x128xf32, #tpu.memory_space<vmem>>, %arg11: memref<10240x128xf32, #tpu.memory_space<vmem_shared>>, %arg12: memref<!tpu.dma_semaphore, #tpu.memory_space<semaphore_mem>>, %arg13: memref<!tpu.dma_semaphore, #tpu.memory_space<semaphore_mem>>, %arg14: memref<!tpu.dma_semaphore, #tpu.memory_space<semaphore_mem>>) attributes {dimension_semantics = [#tpu.dimension_semantics<core_parallel>, #tpu.dimension_semantics<subcore_parallel>], iteration_bounds = array<i64: 2, 16>, scalar_prefetch = 0 : i64, scratch_operands = 9 : i64, tpu.core_type = #tpu.core_type<sc_vector_subcore>, window_params = [{transform_indices = #map}, {transform_indices = #map1}, {transform_indices = #map1}, {transform_indices = #map1}]} {
    %mul3A = arith.constant 16 : i32
    %mul3A_0 = arith.muli %arg0, %mul3A : i32
    %add3A = arith.addi %mul3A_0, %arg1 : i32
    %scan3A = arith.constant 0 : i32
    %scan3A_1 = arith.constant 16 : i32
    %scan3A_2 = arith.addi %scan3A, %scan3A_1 : i32
    %scan3A_3 = arith.constant 1 : i32
    scf.for %scan3A_48 = %scan3A to %scan3A_2 step %scan3A_3  : i32 {
      %mul3A_49 = arith.constant 1 : i32
      %mul3A_50 = arith.muli %scan3A_48, %mul3A_49 : i32
      %add3A_51 = arith.constant 0 : i32
      %add3A_52 = arith.addi %add3A_51, %mul3A_50 : i32
      %scan3A_53 = arith.constant 0 : i32
      %scan3A_54 = arith.constant 8 : i32
      %scan3A_55 = arith.addi %scan3A_53, %scan3A_54 : i32
      %scan3A_56 = arith.constant 1 : i32
      scf.for %scan3A_58 = %scan3A_53 to %scan3A_55 step %scan3A_56  : i32 {
        %mul3A_59 = arith.constant 16 : i32
        %mul3A_60 = arith.muli %scan3A_58, %mul3A_59 : i32
        %add3A_61 = arith.constant 0 : i32
        %add3A_62 = arith.addi %add3A_61, %mul3A_60 : i32
        %broadcast_in_dim3A = arith.constant 0.000000e+00 : f32
        %broadcast_in_dim3A_63 = vector.broadcast %broadcast_in_dim3A : f32 to vector<1x16xf32>
        %swap3A = arith.index_cast %add3A_52 : i32 to index
        %swap3A_64 = arith.index_cast %add3A_62 : i32 to index
        %swap3A_65 = tpu.vector_load %arg10[%swap3A, %swap3A_64] {strides = array<i32>} : memref<16x128xf32, #tpu.memory_space<vmem>>, vector<1x16xf32>,
        %swap3A_66 = vector.shape_cast %swap3A_65 : vector<1x16xf32> to vector<1x16xf32>
        %swap3A_67 = vector.shape_cast %broadcast_in_dim3A_63 : vector<1x16xf32> to vector<1x16xf32>
        tpu.vector_store %arg10[%swap3A, %swap3A_64], %swap3A_67 {strides = array<i32>} : memref<16x128xf32, #tpu.memory_space<vmem>>, vector<1x16xf32>,
      }
      %scan3A_57 = arith.constant 8 : i32
    }
    %scan3A_4 = arith.constant 16 : i32
    %scan3A_5 = arith.constant 0 : i32
    %scan3A_6 = arith.constant 40 : i32
    %scan3A_7 = arith.addi %scan3A_5, %scan3A_6 : i32
    %scan3A_8 = arith.constant 1 : i32
    scf.for %scan3A_48 = %scan3A_5 to %scan3A_7 step %scan3A_8  : i32 {
      %mul3A_49 = arith.constant 16 : i32
      %mul3A_50 = arith.muli %scan3A_48, %mul3A_49 : i32
      %add3A_51 = arith.constant 0 : i32
      %add3A_52 = arith.addi %add3A_51, %mul3A_50 : i32
      %mul3A_53 = arith.constant 640 : i32
      %mul3A_54 = arith.muli %arg1, %mul3A_53 : i32
      %add3A_55 = arith.addi %mul3A_54, %add3A_52 : i32
      "tpu.region"() ({
        %run_scoped3A_56 = tpu.sem_alloc : memref<!tpu.dma_semaphore, #tpu.memory_space<semaphore_mem>>
        %dma_start3A_57 = arith.constant 0 : i32
        %dma_start3A_58 = tpu.memref_slice %arg11[%add3A_55, %dma_start3A_57] : memref<10240x128xf32, #tpu.memory_space<vmem_shared>> -> memref<16x128xf32, #tpu.memory_space<vmem_shared>>
        %dma_start3A_59 = arith.constant 0 : i32
        %dma_start3A_60 = tpu.memref_slice %arg11[%add3A_55, %dma_start3A_59] : memref<10240x128xf32, #tpu.memory_space<vmem_shared>> -> memref<16x128xf32, #tpu.memory_space<vmem_shared>>
        tpu.enqueue_dma source(%arg10 : memref<16x128xf32, #tpu.memory_space<vmem>>) target(%dma_start3A_60 : memref<16x128xf32, #tpu.memory_space<vmem_shared>>) target_semaphore(%run_scoped3A_56 : memref<!tpu.dma_semaphore, #tpu.memory_space<semaphore_mem>>)
        %dma_wait3A_61 = arith.constant 0 : i32
        %dma_wait3A_62 = tpu.memref_slice %arg11[%add3A_55, %dma_wait3A_61] : memref<10240x128xf32, #tpu.memory_space<vmem_shared>> -> memref<16x128xf32, #tpu.memory_space<vmem_shared>>
        %dma_wait3A_63 = arith.constant 0 : i32
        %dma_wait3A_64 = tpu.memref_slice %arg11[%add3A_55, %dma_wait3A_63] : memref<10240x128xf32, #tpu.memory_space<vmem_shared>> -> memref<16x128xf32, #tpu.memory_space<vmem_shared>>
        tpu.wait_dma2 semaphore(%run_scoped3A_56 : memref<!tpu.dma_semaphore, #tpu.memory_space<semaphore_mem>>) src(%arg10 : memref<16x128xf32, #tpu.memory_space<vmem>>) dst(%dma_wait3A_64 : memref<16x128xf32, #tpu.memory_space<vmem_shared>>)
        tpu.yield
      }) : () -> ()
    }
    %scan3A_9 = arith.constant 40 : i32
    %dma_start3A = arith.constant 0 : i32
    %dma_start3A_10 = arith.constant 0 : i32
    %dma_start3A_11 = tpu.memref_slice %arg3[%add3A, %dma_start3A, %dma_start3A_10] : memref<32x79x128xi32, #tpu.memory_space<hbm>> -> memref<1x79x128xi32, #tpu.memory_space<hbm>>
    %dma_start3A_12 = tpu.memref_squeeze %dma_start3A_11 : memref<1x79x128xi32, #tpu.memory_space<hbm>> -> memref<79x128xi32, #tpu.memory_space<hbm>>
    %dma_start3A_13 = arith.constant 0 : i32
    %dma_start3A_14 = arith.constant 0 : i32
    %dma_start3A_15 = tpu.memref_slice %arg3[%add3A, %dma_start3A_13, %dma_start3A_14] : memref<32x79x128xi32, #tpu.memory_space<hbm>> -> memref<1x79x128xi32, #tpu.memory_space<hbm>>
    %dma_start3A_16 = tpu.memref_squeeze %dma_start3A_15 : memref<1x79x128xi32, #tpu.memory_space<hbm>> -> memref<79x128xi32, #tpu.memory_space<hbm>>
    tpu.enqueue_dma source(%dma_start3A_16 : memref<79x128xi32, #tpu.memory_space<hbm>>) target(%arg6 : memref<79x128xi32, #tpu.memory_space<vmem>>) target_semaphore(%arg12 : memref<!tpu.dma_semaphore, #tpu.memory_space<semaphore_mem>>)
    %dma_wait3A = arith.constant 0 : i32
    %dma_wait3A_17 = arith.constant 0 : i32
    %dma_wait3A_18 = tpu.memref_slice %arg3[%add3A, %dma_wait3A, %dma_wait3A_17] : memref<32x79x128xi32, #tpu.memory_space<hbm>> -> memref<1x79x128xi32, #tpu.memory_space<hbm>>
    %dma_wait3A_19 = tpu.memref_squeeze %dma_wait3A_18 : memref<1x79x128xi32, #tpu.memory_space<hbm>> -> memref<79x128xi32, #tpu.memory_space<hbm>>
    %dma_wait3A_20 = arith.constant 0 : i32
    %dma_wait3A_21 = arith.constant 0 : i32
    %dma_wait3A_22 = tpu.memref_slice %arg3[%add3A, %dma_wait3A_20, %dma_wait3A_21] : memref<32x79x128xi32, #tpu.memory_space<hbm>> -> memref<1x79x128xi32, #tpu.memory_space<hbm>>
    %dma_wait3A_23 = tpu.memref_squeeze %dma_wait3A_22 : memref<1x79x128xi32, #tpu.memory_space<hbm>> -> memref<79x128xi32, #tpu.memory_space<hbm>>
    tpu.wait_dma2 semaphore(%arg12 : memref<!tpu.dma_semaphore, #tpu.memory_space<semaphore_mem>>) src(%dma_wait3A_23 : memref<79x128xi32, #tpu.memory_space<hbm>>) dst(%arg6 : memref<79x128xi32, #tpu.memory_space<vmem>>)
    %barrier3A = arith.constant 0 : index
    tpu.barrier barrier_id(%barrier3A)
    "tpu.region"() ({
      %run_scoped3A_48 = tpu.sem_alloc : memref<!tpu.dma_semaphore, #tpu.memory_space<semaphore_mem>>
      %dma_start3A_49 = arith.constant 0 : i32
      %dma_start3A_50 = arith.constant 0 : i32
      %dma_start3A_51 = tpu.memref_slice %arg7[%dma_start3A_49, %dma_start3A_50] : memref<2x128xi32, #tpu.memory_space<vmem>> -> memref<1x128xi32, #tpu.memory_space<vmem>>
      %dma_start3A_52 = arith.constant 0 : i32
      %dma_start3A_53 = arith.constant 0 : i32
      %dma_start3A_54 = tpu.memref_slice %arg4[%add3A, %dma_start3A_52, %dma_start3A_53] : memref<32x79x128xi32, #tpu.memory_space<hbm>> -> memref<1x1x128xi32, #tpu.memory_space<hbm>>
      %dma_start3A_55 = tpu.memref_squeeze %dma_start3A_54 : memref<1x1x128xi32, #tpu.memory_space<hbm>> -> memref<1x128xi32, #tpu.memory_space<hbm>>
      %dma_start3A_56 = arith.constant 0 : i32
      %dma_start3A_57 = arith.constant 0 : i32
      %dma_start3A_58 = tpu.memref_slice %arg7[%dma_start3A_56, %dma_start3A_57] : memref<2x128xi32, #tpu.memory_space<vmem>> -> memref<1x128xi32, #tpu.memory_space<vmem>>
      %dma_start3A_59 = arith.constant 0 : i32
      %dma_start3A_60 = arith.constant 0 : i32
      %dma_start3A_61 = tpu.memref_slice %arg4[%add3A, %dma_start3A_59, %dma_start3A_60] : memref<32x79x128xi32, #tpu.memory_space<hbm>> -> memref<1x1x128xi32, #tpu.memory_space<hbm>>
      %dma_start3A_62 = tpu.memref_squeeze %dma_start3A_61 : memref<1x1x128xi32, #tpu.memory_space<hbm>> -> memref<1x128xi32, #tpu.memory_space<hbm>>
      tpu.enqueue_dma source(%dma_start3A_62 : memref<1x128xi32, #tpu.memory_space<hbm>>) target(%dma_start3A_58 : memref<1x128xi32, #tpu.memory_space<vmem>>) target_semaphore(%run_scoped3A_48 : memref<!tpu.dma_semaphore, #tpu.memory_space<semaphore_mem>>)
      %dma_wait3A_63 = arith.constant 0 : i32
      %dma_wait3A_64 = arith.constant 0 : i32
      %dma_wait3A_65 = tpu.memref_slice %arg7[%dma_wait3A_63, %dma_wait3A_64] : memref<2x128xi32, #tpu.memory_space<vmem>> -> memref<1x128xi32, #tpu.memory_space<vmem>>
      %dma_wait3A_66 = arith.constant 0 : i32
      %dma_wait3A_67 = arith.constant 0 : i32
      %dma_wait3A_68 = tpu.memref_slice %arg4[%add3A, %dma_wait3A_66, %dma_wait3A_67] : memref<32x79x128xi32, #tpu.memory_space<hbm>> -> memref<1x1x128xi32, #tpu.memory_space<hbm>>
      %dma_wait3A_69 = tpu.memref_squeeze %dma_wait3A_68 : memref<1x1x128xi32, #tpu.memory_space<hbm>> -> memref<1x128xi32, #tpu.memory_space<hbm>>
      %dma_wait3A_70 = arith.constant 0 : i32
      %dma_wait3A_71 = arith.constant 0 : i32
      %dma_wait3A_72 = tpu.memref_slice %arg7[%dma_wait3A_70, %dma_wait3A_71] : memref<2x128xi32, #tpu.memory_space<vmem>> -> memref<1x128xi32, #tpu.memory_space<vmem>>
      %dma_wait3A_73 = arith.constant 0 : i32
      %dma_wait3A_74 = arith.constant 0 : i32
      %dma_wait3A_75 = tpu.memref_slice %arg4[%add3A, %dma_wait3A_73, %dma_wait3A_74] : memref<32x79x128xi32, #tpu.memory_space<hbm>> -> memref<1x1x128xi32, #tpu.memory_space<hbm>>
      %dma_wait3A_76 = tpu.memref_squeeze %dma_wait3A_75 : memref<1x1x128xi32, #tpu.memory_space<hbm>> -> memref<1x128xi32, #tpu.memory_space<hbm>>
      tpu.wait_dma2 semaphore(%run_scoped3A_48 : memref<!tpu.dma_semaphore, #tpu.memory_space<semaphore_mem>>) src(%dma_wait3A_76 : memref<1x128xi32, #tpu.memory_space<hbm>>) dst(%dma_wait3A_72 : memref<1x128xi32, #tpu.memory_space<vmem>>)
      tpu.yield
    }) : () -> ()
    %dma_start3A_24 = arith.constant 0 : i32
    %dma_start3A_25 = arith.constant 0 : i32
    %dma_start3A_26 = tpu.memref_slice %arg6[%dma_start3A_24, %dma_start3A_25] : memref<79x128xi32, #tpu.memory_space<vmem>> -> memref<1x128xi32, #tpu.memory_space<vmem>>
    %dma_start3A_27 = tpu.memref_squeeze %dma_start3A_26 : memref<1x128xi32, #tpu.memory_space<vmem>> -> memref<128xi32, #tpu.memory_space<vmem>>
    %dma_start3A_28 = arith.constant 0 : i32
    %dma_start3A_29 = arith.constant 0 : i32
    %dma_start3A_30 = tpu.memref_slice %arg2[%dma_start3A_28, %dma_start3A_29] : memref<10240x128xf32, #tpu.memory_space<hbm>> -> memref<10240x128xf32, #tpu.memory_space<hbm>>
    tpu.enqueue_indirect_dma source(%dma_start3A_30 : memref<10240x128xf32, #tpu.memory_space<hbm>>) target(%arg8 : memref<128x128xf32, #tpu.memory_space<vmem>>) offsets(%dma_start3A_27 : memref<128xi32, #tpu.memory_space<vmem>>) semaphore(%arg12 : memref<!tpu.dma_semaphore, #tpu.memory_space<semaphore_mem>>)
    %scan3A_31 = arith.constant 0 : i32
    %scan3A_32 = arith.constant 39 : i32
    %scan3A_33 = arith.addi %scan3A_31, %scan3A_32 : i32
    %scan3A_34 = arith.constant 1 : i32
    scf.for %scan3A_48 = %scan3A_31 to %scan3A_33 step %scan3A_34  : i32 {
      %mul3A_49 = arith.constant 2 : i32
      %mul3A_50 = arith.muli %scan3A_48, %mul3A_49 : i32
      %add3A_51 = arith.constant 0 : i32
      %add3A_52 = arith.addi %add3A_51, %mul3A_50 : i32
      %add3A_53 = arith.constant 1 : i32
      %add3A_54 = arith.addi %add3A_52, %add3A_53 : i32
      %dma_start3A_55 = arith.constant 1 : i32
      %dma_start3A_56 = arith.constant 0 : i32
      %dma_start3A_57 = tpu.memref_slice %arg7[%dma_start3A_55, %dma_start3A_56] : memref<2x128xi32, #tpu.memory_space<vmem>> -> memref<1x128xi32, #tpu.memory_space<vmem>>
      %dma_start3A_58 = arith.constant 0 : i32
      %dma_start3A_59 = tpu.memref_slice %arg4[%add3A, %add3A_54, %dma_start3A_58] : memref<32x79x128xi32, #tpu.memory_space<hbm>> -> memref<1x1x128xi32, #tpu.memory_space<hbm>>
      %dma_start3A_60 = tpu.memref_squeeze %dma_start3A_59 : memref<1x1x128xi32, #tpu.memory_space<hbm>> -> memref<1x128xi32, #tpu.memory_space<hbm>>
      %dma_start3A_61 = arith.constant 1 : i32
      %dma_start3A_62 = arith.constant 0 : i32
      %dma_start3A_63 = tpu.memref_slice %arg7[%dma_start3A_61, %dma_start3A_62] : memref<2x128xi32, #tpu.memory_space<vmem>> -> memref<1x128xi32, #tpu.memory_space<vmem>>
      %dma_start3A_64 = arith.constant 0 : i32
      %dma_start3A_65 = tpu.memref_slice %arg4[%add3A, %add3A_54, %dma_start3A_64] : memref<32x79x128xi32, #tpu.memory_space<hbm>> -> memref<1x1x128xi32, #tpu.memory_space<hbm>>
      %dma_start3A_66 = tpu.memref_squeeze %dma_start3A_65 : memref<1x1x128xi32, #tpu.memory_space<hbm>> -> memref<1x128xi32, #tpu.memory_space<hbm>>
      tpu.enqueue_dma source(%dma_start3A_66 : memref<1x128xi32, #tpu.memory_space<hbm>>) target(%dma_start3A_63 : memref<1x128xi32, #tpu.memory_space<vmem>>) target_semaphore(%arg14 : memref<!tpu.dma_semaphore, #tpu.memory_space<semaphore_mem>>)
      %dma_wait3A_67 = arith.constant 0 : i32
      %dma_wait3A_68 = tpu.memref_slice %arg6[%add3A_52, %dma_wait3A_67] : memref<79x128xi32, #tpu.memory_space<vmem>> -> memref<1x128xi32, #tpu.memory_space<vmem>>
      %dma_wait3A_69 = tpu.memref_squeeze %dma_wait3A_68 : memref<1x128xi32, #tpu.memory_space<vmem>> -> memref<128xi32, #tpu.memory_space<vmem>>
      %dma_wait3A_70 = arith.constant 0 : i32
      %dma_wait3A_71 = arith.constant 0 : i32
      %dma_wait3A_72 = tpu.memref_slice %arg2[%dma_wait3A_70, %dma_wait3A_71] : memref<10240x128xf32, #tpu.memory_space<hbm>> -> memref<10240x128xf32, #tpu.memory_space<hbm>>
      tpu.wait_indirect_dma semaphore(%arg12 : memref<!tpu.dma_semaphore, #tpu.memory_space<semaphore_mem>>) src(%dma_wait3A_72 : memref<10240x128xf32, #tpu.memory_space<hbm>>) dst(%arg8 : memref<128x128xf32, #tpu.memory_space<vmem>>)
      %add3A_73 = arith.constant 1 : i32
      %add3A_74 = arith.addi %add3A_52, %add3A_73 : i32
      %dma_start3A_75 = arith.constant 0 : i32
      %dma_start3A_76 = tpu.memref_slice %arg6[%add3A_74, %dma_start3A_75] : memref<79x128xi32, #tpu.memory_space<vmem>> -> memref<1x128xi32, #tpu.memory_space<vmem>>
      %dma_start3A_77 = tpu.memref_squeeze %dma_start3A_76 : memref<1x128xi32, #tpu.memory_space<vmem>> -> memref<128xi32, #tpu.memory_space<vmem>>
      %dma_start3A_78 = arith.constant 0 : i32
      %dma_start3A_79 = arith.constant 0 : i32
      %dma_start3A_80 = tpu.memref_slice %arg2[%dma_start3A_78, %dma_start3A_79] : memref<10240x128xf32, #tpu.memory_space<hbm>> -> memref<10240x128xf32, #tpu.memory_space<hbm>>
      tpu.enqueue_indirect_dma source(%dma_start3A_80 : memref<10240x128xf32, #tpu.memory_space<hbm>>) target(%arg9 : memref<128x128xf32, #tpu.memory_space<vmem>>) offsets(%dma_start3A_77 : memref<128xi32, #tpu.memory_space<vmem>>) semaphore(%arg13 : memref<!tpu.dma_semaphore, #tpu.memory_space<semaphore_mem>>)
      %run_scoped3A_81 = arith.constant 0 : i32
      "tpu.region"() ({
        %run_scoped3A_141 = tpu.sem_alloc : memref<!tpu.dma_semaphore, #tpu.memory_space<semaphore_mem>>
        %dma_start3A_142 = arith.constant 0 : i32
        %dma_start3A_143 = tpu.memref_slice %arg7[%run_scoped3A_81, %dma_start3A_142] : memref<2x128xi32, #tpu.memory_space<vmem>> -> memref<1x128xi32, #tpu.memory_space<vmem>>
        %dma_start3A_144 = tpu.memref_squeeze %dma_start3A_143 : memref<1x128xi32, #tpu.memory_space<vmem>> -> memref<128xi32, #tpu.memory_space<vmem>>
        %dma_start3A_145 = arith.constant 0 : i32
        %dma_start3A_146 = arith.constant 0 : i32
        %dma_start3A_147 = tpu.memref_slice %arg11[%dma_start3A_145, %dma_start3A_146] : memref<10240x128xf32, #tpu.memory_space<vmem_shared>> -> memref<10240x128xf32, #tpu.memory_space<vmem_shared>>
        tpu.enqueue_indirect_dma source(%arg8 : memref<128x128xf32, #tpu.memory_space<vmem>>) target(%dma_start3A_147 : memref<10240x128xf32, #tpu.memory_space<vmem_shared>>) offsets(%dma_start3A_144 : memref<128xi32, #tpu.memory_space<vmem>>) semaphore(%run_scoped3A_141 : memref<!tpu.dma_semaphore, #tpu.memory_space<semaphore_mem>>) {add = true}
        %dma_wait3A_148 = arith.constant 0 : i32
        %dma_wait3A_149 = tpu.memref_slice %arg7[%run_scoped3A_81, %dma_wait3A_148] : memref<2x128xi32, #tpu.memory_space<vmem>> -> memref<1x128xi32, #tpu.memory_space<vmem>>
        %dma_wait3A_150 = tpu.memref_squeeze %dma_wait3A_149 : memref<1x128xi32, #tpu.memory_space<vmem>> -> memref<128xi32, #tpu.memory_space<vmem>>
        %dma_wait3A_151 = arith.constant 0 : i32
        %dma_wait3A_152 = arith.constant 0 : i32
        %dma_wait3A_153 = tpu.memref_slice %arg11[%dma_wait3A_151, %dma_wait3A_152] : memref<10240x128xf32, #tpu.memory_space<vmem_shared>> -> memref<10240x128xf32, #tpu.memory_space<vmem_shared>>
        tpu.wait_indirect_dma semaphore(%run_scoped3A_141 : memref<!tpu.dma_semaphore, #tpu.memory_space<semaphore_mem>>) src(%arg8 : memref<128x128xf32, #tpu.memory_space<vmem>>) dst(%dma_wait3A_153 : memref<10240x128xf32, #tpu.memory_space<vmem_shared>>)
        tpu.yield
      }) : () -> ()
      %add3A_82 = arith.constant 1 : i32
      %add3A_83 = arith.addi %add3A_52, %add3A_82 : i32
      %dma_wait3A_84 = arith.constant 1 : i32
      %dma_wait3A_85 = arith.constant 0 : i32
      %dma_wait3A_86 = tpu.memref_slice %arg7[%dma_wait3A_84, %dma_wait3A_85] : memref<2x128xi32, #tpu.memory_space<vmem>> -> memref<1x128xi32, #tpu.memory_space<vmem>>
      %dma_wait3A_87 = arith.constant 0 : i32
      %dma_wait3A_88 = tpu.memref_slice %arg4[%add3A, %add3A_83, %dma_wait3A_87] : memref<32x79x128xi32, #tpu.memory_space<hbm>> -> memref<1x1x128xi32, #tpu.memory_space<hbm>>
      %dma_wait3A_89 = tpu.memref_squeeze %dma_wait3A_88 : memref<1x1x128xi32, #tpu.memory_space<hbm>> -> memref<1x128xi32, #tpu.memory_space<hbm>>
      %dma_wait3A_90 = arith.constant 1 : i32
      %dma_wait3A_91 = arith.constant 0 : i32
      %dma_wait3A_92 = tpu.memref_slice %arg7[%dma_wait3A_90, %dma_wait3A_91] : memref<2x128xi32, #tpu.memory_space<vmem>> -> memref<1x128xi32, #tpu.memory_space<vmem>>
      %dma_wait3A_93 = arith.constant 0 : i32
      %dma_wait3A_94 = tpu.memref_slice %arg4[%add3A, %add3A_83, %dma_wait3A_93] : memref<32x79x128xi32, #tpu.memory_space<hbm>> -> memref<1x1x128xi32, #tpu.memory_space<hbm>>
      %dma_wait3A_95 = tpu.memref_squeeze %dma_wait3A_94 : memref<1x1x128xi32, #tpu.memory_space<hbm>> -> memref<1x128xi32, #tpu.memory_space<hbm>>
      tpu.wait_dma2 semaphore(%arg14 : memref<!tpu.dma_semaphore, #tpu.memory_space<semaphore_mem>>) src(%dma_wait3A_95 : memref<1x128xi32, #tpu.memory_space<hbm>>) dst(%dma_wait3A_92 : memref<1x128xi32, #tpu.memory_space<vmem>>)
      %add3A_96 = arith.constant 2 : i32
      %add3A_97 = arith.addi %add3A_52, %add3A_96 : i32
      %dma_start3A_98 = arith.constant 0 : i32
      %dma_start3A_99 = arith.constant 0 : i32
      %dma_start3A_100 = tpu.memref_slice %arg7[%dma_start3A_98, %dma_start3A_99] : memref<2x128xi32, #tpu.memory_space<vmem>> -> memref<1x128xi32, #tpu.memory_space<vmem>>
      %dma_start3A_101 = arith.constant 0 : i32
      %dma_start3A_102 = tpu.memref_slice %arg4[%add3A, %add3A_97, %dma_start3A_101] : memref<32x79x128xi32, #tpu.memory_space<hbm>> -> memref<1x1x128xi32, #tpu.memory_space<hbm>>
      %dma_start3A_103 = tpu.memref_squeeze %dma_start3A_102 : memref<1x1x128xi32, #tpu.memory_space<hbm>> -> memref<1x128xi32, #tpu.memory_space<hbm>>
      %dma_start3A_104 = arith.constant 0 : i32
      %dma_start3A_105 = arith.constant 0 : i32
      %dma_start3A_106 = tpu.memref_slice %arg7[%dma_start3A_104, %dma_start3A_105] : memref<2x128xi32, #tpu.memory_space<vmem>> -> memref<1x128xi32, #tpu.memory_space<vmem>>
      %dma_start3A_107 = arith.constant 0 : i32
      %dma_start3A_108 = tpu.memref_slice %arg4[%add3A, %add3A_97, %dma_start3A_107] : memref<32x79x128xi32, #tpu.memory_space<hbm>> -> memref<1x1x128xi32, #tpu.memory_space<hbm>>
      %dma_start3A_109 = tpu.memref_squeeze %dma_start3A_108 : memref<1x1x128xi32, #tpu.memory_space<hbm>> -> memref<1x128xi32, #tpu.memory_space<hbm>>
      tpu.enqueue_dma source(%dma_start3A_109 : memref<1x128xi32, #tpu.memory_space<hbm>>) target(%dma_start3A_106 : memref<1x128xi32, #tpu.memory_space<vmem>>) target_semaphore(%arg14 : memref<!tpu.dma_semaphore, #tpu.memory_space<semaphore_mem>>)
      %add3A_110 = arith.constant 1 : i32
      %add3A_111 = arith.addi %add3A_52, %add3A_110 : i32
      %dma_wait3A_112 = arith.constant 0 : i32
      %dma_wait3A_113 = tpu.memref_slice %arg6[%add3A_111, %dma_wait3A_112] : memref<79x128xi32, #tpu.memory_space<vmem>> -> memref<1x128xi32, #tpu.memory_space<vmem>>
      %dma_wait3A_114 = tpu.memref_squeeze %dma_wait3A_113 : memref<1x128xi32, #tpu.memory_space<vmem>> -> memref<128xi32, #tpu.memory_space<vmem>>
      %dma_wait3A_115 = arith.constant 0 : i32
      %dma_wait3A_116 = arith.constant 0 : i32
      %dma_wait3A_117 = tpu.memref_slice %arg2[%dma_wait3A_115, %dma_wait3A_116] : memref<10240x128xf32, #tpu.memory_space<hbm>> -> memref<10240x128xf32, #tpu.memory_space<hbm>>
      tpu.wait_indirect_dma semaphore(%arg13 : memref<!tpu.dma_semaphore, #tpu.memory_space<semaphore_mem>>) src(%dma_wait3A_117 : memref<10240x128xf32, #tpu.memory_space<hbm>>) dst(%arg9 : memref<128x128xf32, #tpu.memory_space<vmem>>)
      %add3A_118 = arith.constant 2 : i32
      %add3A_119 = arith.addi %add3A_52, %add3A_118 : i32
      %dma_start3A_120 = arith.constant 0 : i32
      %dma_start3A_121 = tpu.memref_slice %arg6[%add3A_119, %dma_start3A_120] : memref<79x128xi32, #tpu.memory_space<vmem>> -> memref<1x128xi32, #tpu.memory_space<vmem>>
      %dma_start3A_122 = tpu.memref_squeeze %dma_start3A_121 : memref<1x128xi32, #tpu.memory_space<vmem>> -> memref<128xi32, #tpu.memory_space<vmem>>
      %dma_start3A_123 = arith.constant 0 : i32
      %dma_start3A_124 = arith.constant 0 : i32
      %dma_start3A_125 = tpu.memref_slice %arg2[%dma_start3A_123, %dma_start3A_124] : memref<10240x128xf32, #tpu.memory_space<hbm>> -> memref<10240x128xf32, #tpu.memory_space<hbm>>
      tpu.enqueue_indirect_dma source(%dma_start3A_125 : memref<10240x128xf32, #tpu.memory_space<hbm>>) target(%arg8 : memref<128x128xf32, #tpu.memory_space<vmem>>) offsets(%dma_start3A_122 : memref<128xi32, #tpu.memory_space<vmem>>) semaphore(%arg12 : memref<!tpu.dma_semaphore, #tpu.memory_space<semaphore_mem>>)
      %run_scoped3A_126 = arith.constant 1 : i32
      "tpu.region"() ({
        %run_scoped3A_141 = tpu.sem_alloc : memref<!tpu.dma_semaphore, #tpu.memory_space<semaphore_mem>>
        %dma_start3A_142 = arith.constant 0 : i32
        %dma_start3A_143 = tpu.memref_slice %arg7[%run_scoped3A_126, %dma_start3A_142] : memref<2x128xi32, #tpu.memory_space<vmem>> -> memref<1x128xi32, #tpu.memory_space<vmem>>
        %dma_start3A_144 = tpu.memref_squeeze %dma_start3A_143 : memref<1x128xi32, #tpu.memory_space<vmem>> -> memref<128xi32, #tpu.memory_space<vmem>>
        %dma_start3A_145 = arith.constant 0 : i32
        %dma_start3A_146 = arith.constant 0 : i32
        %dma_start3A_147 = tpu.memref_slice %arg11[%dma_start3A_145, %dma_start3A_146] : memref<10240x128xf32, #tpu.memory_space<vmem_shared>> -> memref<10240x128xf32, #tpu.memory_space<vmem_shared>>
        tpu.enqueue_indirect_dma source(%arg9 : memref<128x128xf32, #tpu.memory_space<vmem>>) target(%dma_start3A_147 : memref<10240x128xf32, #tpu.memory_space<vmem_shared>>) offsets(%dma_start3A_144 : memref<128xi32, #tpu.memory_space<vmem>>) semaphore(%run_scoped3A_141 : memref<!tpu.dma_semaphore, #tpu.memory_space<semaphore_mem>>) {add = true}
        %dma_wait3A_148 = arith.constant 0 : i32
        %dma_wait3A_149 = tpu.memref_slice %arg7[%run_scoped3A_126, %dma_wait3A_148] : memref<2x128xi32, #tpu.memory_space<vmem>> -> memref<1x128xi32, #tpu.memory_space<vmem>>
        %dma_wait3A_150 = tpu.memref_squeeze %dma_wait3A_149 : memref<1x128xi32, #tpu.memory_space<vmem>> -> memref<128xi32, #tpu.memory_space<vmem>>
        %dma_wait3A_151 = arith.constant 0 : i32
        %dma_wait3A_152 = arith.constant 0 : i32
        %dma_wait3A_153 = tpu.memref_slice %arg11[%dma_wait3A_151, %dma_wait3A_152] : memref<10240x128xf32, #tpu.memory_space<vmem_shared>> -> memref<10240x128xf32, #tpu.memory_space<vmem_shared>>
        tpu.wait_indirect_dma semaphore(%run_scoped3A_141 : memref<!tpu.dma_semaphore, #tpu.memory_space<semaphore_mem>>) src(%arg9 : memref<128x128xf32, #tpu.memory_space<vmem>>) dst(%dma_wait3A_153 : memref<10240x128xf32, #tpu.memory_space<vmem_shared>>)
        tpu.yield
      }) : () -> ()
      %add3A_127 = arith.constant 2 : i32
      %add3A_128 = arith.addi %add3A_52, %add3A_127 : i32
      %dma_wait3A_129 = arith.constant 0 : i32
      %dma_wait3A_130 = arith.constant 0 : i32
      %dma_wait3A_131 = tpu.memref_slice %arg7[%dma_wait3A_129, %dma_wait3A_130] : memref<2x128xi32, #tpu.memory_space<vmem>> -> memref<1x128xi32, #tpu.memory_space<vmem>>
      %dma_wait3A_132 = arith.constant 0 : i32
      %dma_wait3A_133 = tpu.memref_slice %arg4[%add3A, %add3A_128, %dma_wait3A_132] : memref<32x79x128xi32, #tpu.memory_space<hbm>> -> memref<1x1x128xi32, #tpu.memory_space<hbm>>
      %dma_wait3A_134 = tpu.memref_squeeze %dma_wait3A_133 : memref<1x1x128xi32, #tpu.memory_space<hbm>> -> memref<1x128xi32, #tpu.memory_space<hbm>>
      %dma_wait3A_135 = arith.constant 0 : i32
      %dma_wait3A_136 = arith.constant 0 : i32
      %dma_wait3A_137 = tpu.memref_slice %arg7[%dma_wait3A_135, %dma_wait3A_136] : memref<2x128xi32, #tpu.memory_space<vmem>> -> memref<1x128xi32, #tpu.memory_space<vmem>>
      %dma_wait3A_138 = arith.constant 0 : i32
      %dma_wait3A_139 = tpu.memref_slice %arg4[%add3A, %add3A_128, %dma_wait3A_138] : memref<32x79x128xi32, #tpu.memory_space<hbm>> -> memref<1x1x128xi32, #tpu.memory_space<hbm>>
      %dma_wait3A_140 = tpu.memref_squeeze %dma_wait3A_139 : memref<1x1x128xi32, #tpu.memory_space<hbm>> -> memref<1x128xi32, #tpu.memory_space<hbm>>
      tpu.wait_dma2 semaphore(%arg14 : memref<!tpu.dma_semaphore, #tpu.memory_space<semaphore_mem>>) src(%dma_wait3A_140 : memref<1x128xi32, #tpu.memory_space<hbm>>) dst(%dma_wait3A_137 : memref<1x128xi32, #tpu.memory_space<vmem>>)
    }
    %scan3A_35 = arith.constant 39 : i32
    %dma_wait3A_36 = arith.constant 78 : i32
    %dma_wait3A_37 = arith.constant 0 : i32
    %dma_wait3A_38 = tpu.memref_slice %arg6[%dma_wait3A_36, %dma_wait3A_37] : memref<79x128xi32, #tpu.memory_space<vmem>> -> memref<1x128xi32, #tpu.memory_space<vmem>>
    %dma_wait3A_39 = tpu.memref_squeeze %dma_wait3A_38 : memref<1x128xi32, #tpu.memory_space<vmem>> -> memref<128xi32, #tpu.memory_space<vmem>>
    %dma_wait3A_40 = arith.constant 0 : i32
    %dma_wait3A_41 = arith.constant 0 : i32
    %dma_wait3A_42 = tpu.memref_slice %arg2[%dma_wait3A_40, %dma_wait3A_41] : memref<10240x128xf32, #tpu.memory_space<hbm>> -> memref<10240x128xf32, #tpu.memory_space<hbm>>
    tpu.wait_indirect_dma semaphore(%arg12 : memref<!tpu.dma_semaphore, #tpu.memory_space<semaphore_mem>>) src(%dma_wait3A_42 : memref<10240x128xf32, #tpu.memory_space<hbm>>) dst(%arg8 : memref<128x128xf32, #tpu.memory_space<vmem>>)
    %run_scoped3A = arith.constant 0 : i32
    "tpu.region"() ({
      %run_scoped3A_48 = tpu.sem_alloc : memref<!tpu.dma_semaphore, #tpu.memory_space<semaphore_mem>>
      %dma_start3A_49 = arith.constant 0 : i32
      %dma_start3A_50 = tpu.memref_slice %arg7[%run_scoped3A, %dma_start3A_49] : memref<2x128xi32, #tpu.memory_space<vmem>> -> memref<1x128xi32, #tpu.memory_space<vmem>>
      %dma_start3A_51 = tpu.memref_squeeze %dma_start3A_50 : memref<1x128xi32, #tpu.memory_space<vmem>> -> memref<128xi32, #tpu.memory_space<vmem>>
      %dma_start3A_52 = arith.constant 0 : i32
      %dma_start3A_53 = arith.constant 0 : i32
      %dma_start3A_54 = tpu.memref_slice %arg11[%dma_start3A_52, %dma_start3A_53] : memref<10240x128xf32, #tpu.memory_space<vmem_shared>> -> memref<10240x128xf32, #tpu.memory_space<vmem_shared>>
      tpu.enqueue_indirect_dma source(%arg8 : memref<128x128xf32, #tpu.memory_space<vmem>>) target(%dma_start3A_54 : memref<10240x128xf32, #tpu.memory_space<vmem_shared>>) offsets(%dma_start3A_51 : memref<128xi32, #tpu.memory_space<vmem>>) semaphore(%run_scoped3A_48 : memref<!tpu.dma_semaphore, #tpu.memory_space<semaphore_mem>>) {add = true}
      %dma_wait3A_55 = arith.constant 0 : i32
      %dma_wait3A_56 = tpu.memref_slice %arg7[%run_scoped3A, %dma_wait3A_55] : memref<2x128xi32, #tpu.memory_space<vmem>> -> memref<1x128xi32, #tpu.memory_space<vmem>>
      %dma_wait3A_57 = tpu.memref_squeeze %dma_wait3A_56 : memref<1x128xi32, #tpu.memory_space<vmem>> -> memref<128xi32, #tpu.memory_space<vmem>>
      %dma_wait3A_58 = arith.constant 0 : i32
      %dma_wait3A_59 = arith.constant 0 : i32
      %dma_wait3A_60 = tpu.memref_slice %arg11[%dma_wait3A_58, %dma_wait3A_59] : memref<10240x128xf32, #tpu.memory_space<vmem_shared>> -> memref<10240x128xf32, #tpu.memory_space<vmem_shared>>
      tpu.wait_indirect_dma semaphore(%run_scoped3A_48 : memref<!tpu.dma_semaphore, #tpu.memory_space<semaphore_mem>>) src(%arg8 : memref<128x128xf32, #tpu.memory_space<vmem>>) dst(%dma_wait3A_60 : memref<10240x128xf32, #tpu.memory_space<vmem_shared>>)
      tpu.yield
    }) : () -> ()
    %barrier3A_43 = arith.constant 0 : index
    tpu.barrier barrier_id(%barrier3A_43)
    %mul3A_44 = arith.constant 640 : i32
    %mul3A_45 = arith.muli %arg1, %mul3A_44 : i32
    %mul3A_46 = arith.constant 640 : i32
    %mul3A_47 = arith.muli %arg1, %mul3A_46 : i32
    "tpu.region"() ({
      %run_scoped3A_48 = tpu.sem_alloc : memref<!tpu.dma_semaphore, #tpu.memory_space<semaphore_mem>>
      %dma_start3A_49 = arith.constant 0 : i32
      %dma_start3A_50 = tpu.memref_slice %arg5[%arg0, %mul3A_47, %dma_start3A_49] : memref<2x10240x128xf32, #tpu.memory_space<hbm>> -> memref<1x640x128xf32, #tpu.memory_space<hbm>>
      %dma_start3A_51 = tpu.memref_squeeze %dma_start3A_50 : memref<1x640x128xf32, #tpu.memory_space<hbm>> -> memref<640x128xf32, #tpu.memory_space<hbm>>
      %dma_start3A_52 = arith.constant 0 : i32
      %dma_start3A_53 = tpu.memref_slice %arg11[%mul3A_45, %dma_start3A_52] : memref<10240x128xf32, #tpu.memory_space<vmem_shared>> -> memref<640x128xf32, #tpu.memory_space<vmem_shared>>
      tpu.enqueue_dma source(%dma_start3A_53 : memref<640x128xf32, #tpu.memory_space<vmem_shared>>) target(%dma_start3A_51 : memref<640x128xf32, #tpu.memory_space<hbm>>) target_semaphore(%run_scoped3A_48 : memref<!tpu.dma_semaphore, #tpu.memory_space<semaphore_mem>>)
      %dma_wait3A_54 = arith.constant 0 : i32
      %dma_wait3A_55 = tpu.memref_slice %arg5[%arg0, %mul3A_47, %dma_wait3A_54] : memref<2x10240x128xf32, #tpu.memory_space<hbm>> -> memref<1x640x128xf32, #tpu.memory_space<hbm>>
      %dma_wait3A_56 = tpu.memref_squeeze %dma_wait3A_55 : memref<1x640x128xf32, #tpu.memory_space<hbm>> -> memref<640x128xf32, #tpu.memory_space<hbm>>
      %dma_wait3A_57 = arith.constant 0 : i32
      %dma_wait3A_58 = tpu.memref_slice %arg11[%mul3A_45, %dma_wait3A_57] : memref<10240x128xf32, #tpu.memory_space<vmem_shared>> -> memref<640x128xf32, #tpu.memory_space<vmem_shared>>
      tpu.wait_dma2 semaphore(%run_scoped3A_48 : memref<!tpu.dma_semaphore, #tpu.memory_space<semaphore_mem>>) src(%dma_wait3A_58 : memref<640x128xf32, #tpu.memory_space<vmem_shared>>) dst(%dma_wait3A_56 : memref<640x128xf32, #tpu.memory_space<hbm>>)
      tpu.yield
    }) : () -> ()
    return
  }
}

#map = affine_map<(d0, d1) -> (0, 0, 0)>
module attributes {stable_mosaic.version = 14 : i64} {
  func.func @deg_kernel(%arg0: i32, %arg1: i32, %arg2: memref<32x79x128xi32, #tpu.memory_space<hbm>>, %arg3: memref<2x10240x16xf32, #tpu.memory_space<hbm>>, %arg4: memref<79x128xi32, #tpu.memory_space<vmem>>, %arg5: memref<128x16xf32, #tpu.memory_space<vmem>>, %arg6: memref<640x16xf32, #tpu.memory_space<vmem>>, %arg7: memref<10240x16xf32, #tpu.memory_space<vmem_shared>>, %arg8: memref<!tpu.dma_semaphore, #tpu.memory_space<semaphore_mem>>) attributes {dimension_semantics = [#tpu.dimension_semantics<core_parallel>, #tpu.dimension_semantics<subcore_parallel>], iteration_bounds = array<i64: 2, 16>, scalar_prefetch = 0 : i64, scratch_operands = 5 : i64, tpu.core_type = #tpu.core_type<sc_vector_subcore>, window_params = [{transform_indices = #map}, {transform_indices = #map}]} {
    %mul3A = arith.constant 16 : i32
    %mul3A_0 = arith.muli %arg0, %mul3A : i32
    %add3A = arith.addi %mul3A_0, %arg1 : i32
    %scan3A = arith.constant 0 : i32
    %scan3A_1 = arith.constant 640 : i32
    %scan3A_2 = arith.addi %scan3A, %scan3A_1 : i32
    %scan3A_3 = arith.constant 1 : i32
    scf.for %scan3A_36 = %scan3A to %scan3A_2 step %scan3A_3  : i32 {
      %mul3A_37 = arith.constant 1 : i32
      %mul3A_38 = arith.muli %scan3A_36, %mul3A_37 : i32
      %add3A_39 = arith.constant 0 : i32
      %add3A_40 = arith.addi %add3A_39, %mul3A_38 : i32
      %broadcast_in_dim3A = arith.constant 0.000000e+00 : f32
      %broadcast_in_dim3A_41 = vector.broadcast %broadcast_in_dim3A : f32 to vector<1x16xf32>
      %swap3A = arith.index_cast %add3A_40 : i32 to index
      %swap3A_42 = arith.constant 0 : index
      %swap3A_43 = tpu.vector_load %arg6[%swap3A, %swap3A_42] {strides = array<i32>} : memref<640x16xf32, #tpu.memory_space<vmem>>, vector<1x16xf32>,
      %swap3A_44 = vector.shape_cast %swap3A_43 : vector<1x16xf32> to vector<1x16xf32>
      %swap3A_45 = vector.shape_cast %broadcast_in_dim3A_41 : vector<1x16xf32> to vector<1x16xf32>
      tpu.vector_store %arg6[%swap3A, %swap3A_42], %swap3A_45 {strides = array<i32>} : memref<640x16xf32, #tpu.memory_space<vmem>>, vector<1x16xf32>,
    }
    %scan3A_4 = arith.constant 640 : i32
    %scan3A_5 = arith.constant 0 : i32
    %scan3A_6 = arith.constant 128 : i32
    %scan3A_7 = arith.addi %scan3A_5, %scan3A_6 : i32
    %scan3A_8 = arith.constant 1 : i32
    scf.for %scan3A_36 = %scan3A_5 to %scan3A_7 step %scan3A_8  : i32 {
      %mul3A_37 = arith.constant 1 : i32
      %mul3A_38 = arith.muli %scan3A_36, %mul3A_37 : i32
      %add3A_39 = arith.constant 0 : i32
      %add3A_40 = arith.addi %add3A_39, %mul3A_38 : i32
      %broadcast_in_dim3A = arith.constant 1.000000e+00 : f32
      %broadcast_in_dim3A_41 = vector.broadcast %broadcast_in_dim3A : f32 to vector<1x16xf32>
      %swap3A = arith.index_cast %add3A_40 : i32 to index
      %swap3A_42 = arith.constant 0 : index
      %swap3A_43 = tpu.vector_load %arg5[%swap3A, %swap3A_42] {strides = array<i32>} : memref<128x16xf32, #tpu.memory_space<vmem>>, vector<1x16xf32>,
      %swap3A_44 = vector.shape_cast %swap3A_43 : vector<1x16xf32> to vector<1x16xf32>
      %swap3A_45 = vector.shape_cast %broadcast_in_dim3A_41 : vector<1x16xf32> to vector<1x16xf32>
      tpu.vector_store %arg5[%swap3A, %swap3A_42], %swap3A_45 {strides = array<i32>} : memref<128x16xf32, #tpu.memory_space<vmem>>, vector<1x16xf32>,
    }
    %scan3A_9 = arith.constant 128 : i32
    %mul3A_10 = arith.constant 640 : i32
    %mul3A_11 = arith.muli %arg1, %mul3A_10 : i32
    "tpu.region"() ({
      %run_scoped3A = tpu.sem_alloc : memref<!tpu.dma_semaphore, #tpu.memory_space<semaphore_mem>>
      %dma_start3A_36 = arith.constant 0 : i32
      %dma_start3A_37 = tpu.memref_slice %arg7[%mul3A_11, %dma_start3A_36] : memref<10240x16xf32, #tpu.memory_space<vmem_shared>> -> memref<640x16xf32, #tpu.memory_space<vmem_shared>>
      %dma_start3A_38 = arith.constant 0 : i32
      %dma_start3A_39 = tpu.memref_slice %arg7[%mul3A_11, %dma_start3A_38] : memref<10240x16xf32, #tpu.memory_space<vmem_shared>> -> memref<640x16xf32, #tpu.memory_space<vmem_shared>>
      tpu.enqueue_dma source(%arg6 : memref<640x16xf32, #tpu.memory_space<vmem>>) target(%dma_start3A_39 : memref<640x16xf32, #tpu.memory_space<vmem_shared>>) target_semaphore(%run_scoped3A : memref<!tpu.dma_semaphore, #tpu.memory_space<semaphore_mem>>)
      %dma_wait3A_40 = arith.constant 0 : i32
      %dma_wait3A_41 = tpu.memref_slice %arg7[%mul3A_11, %dma_wait3A_40] : memref<10240x16xf32, #tpu.memory_space<vmem_shared>> -> memref<640x16xf32, #tpu.memory_space<vmem_shared>>
      %dma_wait3A_42 = arith.constant 0 : i32
      %dma_wait3A_43 = tpu.memref_slice %arg7[%mul3A_11, %dma_wait3A_42] : memref<10240x16xf32, #tpu.memory_space<vmem_shared>> -> memref<640x16xf32, #tpu.memory_space<vmem_shared>>
      tpu.wait_dma2 semaphore(%run_scoped3A : memref<!tpu.dma_semaphore, #tpu.memory_space<semaphore_mem>>) src(%arg6 : memref<640x16xf32, #tpu.memory_space<vmem>>) dst(%dma_wait3A_43 : memref<640x16xf32, #tpu.memory_space<vmem_shared>>)
      tpu.yield
    }) : () -> ()
    %dma_start3A = arith.constant 0 : i32
    %dma_start3A_12 = arith.constant 0 : i32
    %dma_start3A_13 = tpu.memref_slice %arg2[%add3A, %dma_start3A, %dma_start3A_12] : memref<32x79x128xi32, #tpu.memory_space<hbm>> -> memref<1x79x128xi32, #tpu.memory_space<hbm>>
    %dma_start3A_14 = tpu.memref_squeeze %dma_start3A_13 : memref<1x79x128xi32, #tpu.memory_space<hbm>> -> memref<79x128xi32, #tpu.memory_space<hbm>>
    %dma_start3A_15 = arith.constant 0 : i32
    %dma_start3A_16 = arith.constant 0 : i32
    %dma_start3A_17 = tpu.memref_slice %arg2[%add3A, %dma_start3A_15, %dma_start3A_16] : memref<32x79x128xi32, #tpu.memory_space<hbm>> -> memref<1x79x128xi32, #tpu.memory_space<hbm>>
    %dma_start3A_18 = tpu.memref_squeeze %dma_start3A_17 : memref<1x79x128xi32, #tpu.memory_space<hbm>> -> memref<79x128xi32, #tpu.memory_space<hbm>>
    tpu.enqueue_dma source(%dma_start3A_18 : memref<79x128xi32, #tpu.memory_space<hbm>>) target(%arg4 : memref<79x128xi32, #tpu.memory_space<vmem>>) target_semaphore(%arg8 : memref<!tpu.dma_semaphore, #tpu.memory_space<semaphore_mem>>)
    %dma_wait3A = arith.constant 0 : i32
    %dma_wait3A_19 = arith.constant 0 : i32
    %dma_wait3A_20 = tpu.memref_slice %arg2[%add3A, %dma_wait3A, %dma_wait3A_19] : memref<32x79x128xi32, #tpu.memory_space<hbm>> -> memref<1x79x128xi32, #tpu.memory_space<hbm>>
    %dma_wait3A_21 = tpu.memref_squeeze %dma_wait3A_20 : memref<1x79x128xi32, #tpu.memory_space<hbm>> -> memref<79x128xi32, #tpu.memory_space<hbm>>
    %dma_wait3A_22 = arith.constant 0 : i32
    %dma_wait3A_23 = arith.constant 0 : i32
    %dma_wait3A_24 = tpu.memref_slice %arg2[%add3A, %dma_wait3A_22, %dma_wait3A_23] : memref<32x79x128xi32, #tpu.memory_space<hbm>> -> memref<1x79x128xi32, #tpu.memory_space<hbm>>
    %dma_wait3A_25 = tpu.memref_squeeze %dma_wait3A_24 : memref<1x79x128xi32, #tpu.memory_space<hbm>> -> memref<79x128xi32, #tpu.memory_space<hbm>>
    tpu.wait_dma2 semaphore(%arg8 : memref<!tpu.dma_semaphore, #tpu.memory_space<semaphore_mem>>) src(%dma_wait3A_25 : memref<79x128xi32, #tpu.memory_space<hbm>>) dst(%arg4 : memref<79x128xi32, #tpu.memory_space<vmem>>)
    %barrier3A = arith.constant 0 : index
    tpu.barrier barrier_id(%barrier3A)
    %scan3A_26 = arith.constant 0 : i32
    %scan3A_27 = arith.constant 79 : i32
    %scan3A_28 = arith.addi %scan3A_26, %scan3A_27 : i32
    %scan3A_29 = arith.constant 1 : i32
    scf.for %scan3A_36 = %scan3A_26 to %scan3A_28 step %scan3A_29  : i32 {
      %mul3A_37 = arith.constant 1 : i32
      %mul3A_38 = arith.muli %scan3A_36, %mul3A_37 : i32
      %add3A_39 = arith.constant 0 : i32
      %add3A_40 = arith.addi %add3A_39, %mul3A_38 : i32
      "tpu.region"() ({
        %run_scoped3A = tpu.sem_alloc : memref<!tpu.dma_semaphore, #tpu.memory_space<semaphore_mem>>
        %dma_start3A_41 = arith.constant 0 : i32
        %dma_start3A_42 = tpu.memref_slice %arg4[%add3A_40, %dma_start3A_41] : memref<79x128xi32, #tpu.memory_space<vmem>> -> memref<1x128xi32, #tpu.memory_space<vmem>>
        %dma_start3A_43 = tpu.memref_squeeze %dma_start3A_42 : memref<1x128xi32, #tpu.memory_space<vmem>> -> memref<128xi32, #tpu.memory_space<vmem>>
        %dma_start3A_44 = arith.constant 0 : i32
        %dma_start3A_45 = arith.constant 0 : i32
        %dma_start3A_46 = tpu.memref_slice %arg7[%dma_start3A_44, %dma_start3A_45] : memref<10240x16xf32, #tpu.memory_space<vmem_shared>> -> memref<10240x16xf32, #tpu.memory_space<vmem_shared>>
        tpu.enqueue_indirect_dma source(%arg5 : memref<128x16xf32, #tpu.memory_space<vmem>>) target(%dma_start3A_46 : memref<10240x16xf32, #tpu.memory_space<vmem_shared>>) offsets(%dma_start3A_43 : memref<128xi32, #tpu.memory_space<vmem>>) semaphore(%run_scoped3A : memref<!tpu.dma_semaphore, #tpu.memory_space<semaphore_mem>>) {add = true}
        %dma_wait3A_47 = arith.constant 0 : i32
        %dma_wait3A_48 = tpu.memref_slice %arg4[%add3A_40, %dma_wait3A_47] : memref<79x128xi32, #tpu.memory_space<vmem>> -> memref<1x128xi32, #tpu.memory_space<vmem>>
        %dma_wait3A_49 = tpu.memref_squeeze %dma_wait3A_48 : memref<1x128xi32, #tpu.memory_space<vmem>> -> memref<128xi32, #tpu.memory_space<vmem>>
        %dma_wait3A_50 = arith.constant 0 : i32
        %dma_wait3A_51 = arith.constant 0 : i32
        %dma_wait3A_52 = tpu.memref_slice %arg7[%dma_wait3A_50, %dma_wait3A_51] : memref<10240x16xf32, #tpu.memory_space<vmem_shared>> -> memref<10240x16xf32, #tpu.memory_space<vmem_shared>>
        tpu.wait_indirect_dma semaphore(%run_scoped3A : memref<!tpu.dma_semaphore, #tpu.memory_space<semaphore_mem>>) src(%arg5 : memref<128x16xf32, #tpu.memory_space<vmem>>) dst(%dma_wait3A_52 : memref<10240x16xf32, #tpu.memory_space<vmem_shared>>)
        tpu.yield
      }) : () -> ()
    }
    %scan3A_30 = arith.constant 79 : i32
    %barrier3A_31 = arith.constant 0 : index
    tpu.barrier barrier_id(%barrier3A_31)
    %mul3A_32 = arith.constant 640 : i32
    %mul3A_33 = arith.muli %arg1, %mul3A_32 : i32
    %mul3A_34 = arith.constant 640 : i32
    %mul3A_35 = arith.muli %arg1, %mul3A_34 : i32
    "tpu.region"() ({
      %run_scoped3A = tpu.sem_alloc : memref<!tpu.dma_semaphore, #tpu.memory_space<semaphore_mem>>
      %dma_start3A_36 = arith.constant 0 : i32
      %dma_start3A_37 = tpu.memref_slice %arg3[%arg0, %mul3A_35, %dma_start3A_36] : memref<2x10240x16xf32, #tpu.memory_space<hbm>> -> memref<1x640x16xf32, #tpu.memory_space<hbm>>
      %dma_start3A_38 = tpu.memref_squeeze %dma_start3A_37 : memref<1x640x16xf32, #tpu.memory_space<hbm>> -> memref<640x16xf32, #tpu.memory_space<hbm>>
      %dma_start3A_39 = arith.constant 0 : i32
      %dma_start3A_40 = tpu.memref_slice %arg7[%mul3A_33, %dma_start3A_39] : memref<10240x16xf32, #tpu.memory_space<vmem_shared>> -> memref<640x16xf32, #tpu.memory_space<vmem_shared>>
      tpu.enqueue_dma source(%dma_start3A_40 : memref<640x16xf32, #tpu.memory_space<vmem_shared>>) target(%dma_start3A_38 : memref<640x16xf32, #tpu.memory_space<hbm>>) target_semaphore(%run_scoped3A : memref<!tpu.dma_semaphore, #tpu.memory_space<semaphore_mem>>)
      %dma_wait3A_41 = arith.constant 0 : i32
      %dma_wait3A_42 = tpu.memref_slice %arg3[%arg0, %mul3A_35, %dma_wait3A_41] : memref<2x10240x16xf32, #tpu.memory_space<hbm>> -> memref<1x640x16xf32, #tpu.memory_space<hbm>>
      %dma_wait3A_43 = tpu.memref_squeeze %dma_wait3A_42 : memref<1x640x16xf32, #tpu.memory_space<hbm>> -> memref<640x16xf32, #tpu.memory_space<hbm>>
      %dma_wait3A_44 = arith.constant 0 : i32
      %dma_wait3A_45 = tpu.memref_slice %arg7[%mul3A_33, %dma_wait3A_44] : memref<10240x16xf32, #tpu.memory_space<vmem_shared>> -> memref<640x16xf32, #tpu.memory_space<vmem_shared>>
      tpu.wait_dma2 semaphore(%run_scoped3A : memref<!tpu.dma_semaphore, #tpu.memory_space<semaphore_mem>>) src(%dma_wait3A_45 : memref<640x16xf32, #tpu.memory_space<vmem_shared>>) dst(%dma_wait3A_43 : memref<640x16xf32, #tpu.memory_space<hbm>>)
      tpu.yield
    }) : () -> ()
    return
  }
}

#map = affine_map<(d0, d1) -> (0, 0)>
#map1 = affine_map<(d0, d1) -> (0, 0, 0)>
module attributes {stable_mosaic.version = 14 : i64} {
  func.func @agg_kernel(%arg0: i32, %arg1: i32, %arg2: memref<10240x64xf32, #tpu.memory_space<hbm>>, %arg3: memref<32x79x128xi32, #tpu.memory_space<hbm>>, %arg4: memref<32x79x128xi32, #tpu.memory_space<hbm>>, %arg5: memref<2x10240x64xf32, #tpu.memory_space<hbm>>, %arg6: memref<79x128xi32, #tpu.memory_space<vmem>>, %arg7: memref<2x128xi32, #tpu.memory_space<vmem>>, %arg8: memref<128x64xf32, #tpu.memory_space<vmem>>, %arg9: memref<128x64xf32, #tpu.memory_space<vmem>>, %arg10: memref<16x64xf32, #tpu.memory_space<vmem>>, %arg11: memref<10240x64xf32, #tpu.memory_space<vmem_shared>>, %arg12: memref<!tpu.dma_semaphore, #tpu.memory_space<semaphore_mem>>, %arg13: memref<!tpu.dma_semaphore, #tpu.memory_space<semaphore_mem>>, %arg14: memref<!tpu.dma_semaphore, #tpu.memory_space<semaphore_mem>>) attributes {dimension_semantics = [#tpu.dimension_semantics<core_parallel>, #tpu.dimension_semantics<subcore_parallel>], iteration_bounds = array<i64: 2, 16>, scalar_prefetch = 0 : i64, scratch_operands = 9 : i64, tpu.core_type = #tpu.core_type<sc_vector_subcore>, window_params = [{transform_indices = #map}, {transform_indices = #map1}, {transform_indices = #map1}, {transform_indices = #map1}]} {
    %mul3A = arith.constant 16 : i32
    %mul3A_0 = arith.muli %arg0, %mul3A : i32
    %add3A = arith.addi %mul3A_0, %arg1 : i32
    %scan3A = arith.constant 0 : i32
    %scan3A_1 = arith.constant 16 : i32
    %scan3A_2 = arith.addi %scan3A, %scan3A_1 : i32
    %scan3A_3 = arith.constant 1 : i32
    scf.for %scan3A_48 = %scan3A to %scan3A_2 step %scan3A_3  : i32 {
      %mul3A_49 = arith.constant 1 : i32
      %mul3A_50 = arith.muli %scan3A_48, %mul3A_49 : i32
      %add3A_51 = arith.constant 0 : i32
      %add3A_52 = arith.addi %add3A_51, %mul3A_50 : i32
      %scan3A_53 = arith.constant 0 : i32
      %scan3A_54 = arith.constant 4 : i32
      %scan3A_55 = arith.addi %scan3A_53, %scan3A_54 : i32
      %scan3A_56 = arith.constant 1 : i32
      scf.for %scan3A_58 = %scan3A_53 to %scan3A_55 step %scan3A_56  : i32 {
        %mul3A_59 = arith.constant 16 : i32
        %mul3A_60 = arith.muli %scan3A_58, %mul3A_59 : i32
        %add3A_61 = arith.constant 0 : i32
        %add3A_62 = arith.addi %add3A_61, %mul3A_60 : i32
        %broadcast_in_dim3A = arith.constant 0.000000e+00 : f32
        %broadcast_in_dim3A_63 = vector.broadcast %broadcast_in_dim3A : f32 to vector<1x16xf32>
        %swap3A = arith.index_cast %add3A_52 : i32 to index
        %swap3A_64 = arith.index_cast %add3A_62 : i32 to index
        %swap3A_65 = tpu.vector_load %arg10[%swap3A, %swap3A_64] {strides = array<i32>} : memref<16x64xf32, #tpu.memory_space<vmem>>, vector<1x16xf32>,
        %swap3A_66 = vector.shape_cast %swap3A_65 : vector<1x16xf32> to vector<1x16xf32>
        %swap3A_67 = vector.shape_cast %broadcast_in_dim3A_63 : vector<1x16xf32> to vector<1x16xf32>
        tpu.vector_store %arg10[%swap3A, %swap3A_64], %swap3A_67 {strides = array<i32>} : memref<16x64xf32, #tpu.memory_space<vmem>>, vector<1x16xf32>,
      }
      %scan3A_57 = arith.constant 4 : i32
    }
    %scan3A_4 = arith.constant 16 : i32
    %scan3A_5 = arith.constant 0 : i32
    %scan3A_6 = arith.constant 40 : i32
    %scan3A_7 = arith.addi %scan3A_5, %scan3A_6 : i32
    %scan3A_8 = arith.constant 1 : i32
    scf.for %scan3A_48 = %scan3A_5 to %scan3A_7 step %scan3A_8  : i32 {
      %mul3A_49 = arith.constant 16 : i32
      %mul3A_50 = arith.muli %scan3A_48, %mul3A_49 : i32
      %add3A_51 = arith.constant 0 : i32
      %add3A_52 = arith.addi %add3A_51, %mul3A_50 : i32
      %mul3A_53 = arith.constant 640 : i32
      %mul3A_54 = arith.muli %arg1, %mul3A_53 : i32
      %add3A_55 = arith.addi %mul3A_54, %add3A_52 : i32
      "tpu.region"() ({
        %run_scoped3A_56 = tpu.sem_alloc : memref<!tpu.dma_semaphore, #tpu.memory_space<semaphore_mem>>
        %dma_start3A_57 = arith.constant 0 : i32
        %dma_start3A_58 = tpu.memref_slice %arg11[%add3A_55, %dma_start3A_57] : memref<10240x64xf32, #tpu.memory_space<vmem_shared>> -> memref<16x64xf32, #tpu.memory_space<vmem_shared>>
        %dma_start3A_59 = arith.constant 0 : i32
        %dma_start3A_60 = tpu.memref_slice %arg11[%add3A_55, %dma_start3A_59] : memref<10240x64xf32, #tpu.memory_space<vmem_shared>> -> memref<16x64xf32, #tpu.memory_space<vmem_shared>>
        tpu.enqueue_dma source(%arg10 : memref<16x64xf32, #tpu.memory_space<vmem>>) target(%dma_start3A_60 : memref<16x64xf32, #tpu.memory_space<vmem_shared>>) target_semaphore(%run_scoped3A_56 : memref<!tpu.dma_semaphore, #tpu.memory_space<semaphore_mem>>)
        %dma_wait3A_61 = arith.constant 0 : i32
        %dma_wait3A_62 = tpu.memref_slice %arg11[%add3A_55, %dma_wait3A_61] : memref<10240x64xf32, #tpu.memory_space<vmem_shared>> -> memref<16x64xf32, #tpu.memory_space<vmem_shared>>
        %dma_wait3A_63 = arith.constant 0 : i32
        %dma_wait3A_64 = tpu.memref_slice %arg11[%add3A_55, %dma_wait3A_63] : memref<10240x64xf32, #tpu.memory_space<vmem_shared>> -> memref<16x64xf32, #tpu.memory_space<vmem_shared>>
        tpu.wait_dma2 semaphore(%run_scoped3A_56 : memref<!tpu.dma_semaphore, #tpu.memory_space<semaphore_mem>>) src(%arg10 : memref<16x64xf32, #tpu.memory_space<vmem>>) dst(%dma_wait3A_64 : memref<16x64xf32, #tpu.memory_space<vmem_shared>>)
        tpu.yield
      }) : () -> ()
    }
    %scan3A_9 = arith.constant 40 : i32
    %dma_start3A = arith.constant 0 : i32
    %dma_start3A_10 = arith.constant 0 : i32
    %dma_start3A_11 = tpu.memref_slice %arg3[%add3A, %dma_start3A, %dma_start3A_10] : memref<32x79x128xi32, #tpu.memory_space<hbm>> -> memref<1x79x128xi32, #tpu.memory_space<hbm>>
    %dma_start3A_12 = tpu.memref_squeeze %dma_start3A_11 : memref<1x79x128xi32, #tpu.memory_space<hbm>> -> memref<79x128xi32, #tpu.memory_space<hbm>>
    %dma_start3A_13 = arith.constant 0 : i32
    %dma_start3A_14 = arith.constant 0 : i32
    %dma_start3A_15 = tpu.memref_slice %arg3[%add3A, %dma_start3A_13, %dma_start3A_14] : memref<32x79x128xi32, #tpu.memory_space<hbm>> -> memref<1x79x128xi32, #tpu.memory_space<hbm>>
    %dma_start3A_16 = tpu.memref_squeeze %dma_start3A_15 : memref<1x79x128xi32, #tpu.memory_space<hbm>> -> memref<79x128xi32, #tpu.memory_space<hbm>>
    tpu.enqueue_dma source(%dma_start3A_16 : memref<79x128xi32, #tpu.memory_space<hbm>>) target(%arg6 : memref<79x128xi32, #tpu.memory_space<vmem>>) target_semaphore(%arg12 : memref<!tpu.dma_semaphore, #tpu.memory_space<semaphore_mem>>)
    %dma_wait3A = arith.constant 0 : i32
    %dma_wait3A_17 = arith.constant 0 : i32
    %dma_wait3A_18 = tpu.memref_slice %arg3[%add3A, %dma_wait3A, %dma_wait3A_17] : memref<32x79x128xi32, #tpu.memory_space<hbm>> -> memref<1x79x128xi32, #tpu.memory_space<hbm>>
    %dma_wait3A_19 = tpu.memref_squeeze %dma_wait3A_18 : memref<1x79x128xi32, #tpu.memory_space<hbm>> -> memref<79x128xi32, #tpu.memory_space<hbm>>
    %dma_wait3A_20 = arith.constant 0 : i32
    %dma_wait3A_21 = arith.constant 0 : i32
    %dma_wait3A_22 = tpu.memref_slice %arg3[%add3A, %dma_wait3A_20, %dma_wait3A_21] : memref<32x79x128xi32, #tpu.memory_space<hbm>> -> memref<1x79x128xi32, #tpu.memory_space<hbm>>
    %dma_wait3A_23 = tpu.memref_squeeze %dma_wait3A_22 : memref<1x79x128xi32, #tpu.memory_space<hbm>> -> memref<79x128xi32, #tpu.memory_space<hbm>>
    tpu.wait_dma2 semaphore(%arg12 : memref<!tpu.dma_semaphore, #tpu.memory_space<semaphore_mem>>) src(%dma_wait3A_23 : memref<79x128xi32, #tpu.memory_space<hbm>>) dst(%arg6 : memref<79x128xi32, #tpu.memory_space<vmem>>)
    %barrier3A = arith.constant 0 : index
    tpu.barrier barrier_id(%barrier3A)
    "tpu.region"() ({
      %run_scoped3A_48 = tpu.sem_alloc : memref<!tpu.dma_semaphore, #tpu.memory_space<semaphore_mem>>
      %dma_start3A_49 = arith.constant 0 : i32
      %dma_start3A_50 = arith.constant 0 : i32
      %dma_start3A_51 = tpu.memref_slice %arg7[%dma_start3A_49, %dma_start3A_50] : memref<2x128xi32, #tpu.memory_space<vmem>> -> memref<1x128xi32, #tpu.memory_space<vmem>>
      %dma_start3A_52 = arith.constant 0 : i32
      %dma_start3A_53 = arith.constant 0 : i32
      %dma_start3A_54 = tpu.memref_slice %arg4[%add3A, %dma_start3A_52, %dma_start3A_53] : memref<32x79x128xi32, #tpu.memory_space<hbm>> -> memref<1x1x128xi32, #tpu.memory_space<hbm>>
      %dma_start3A_55 = tpu.memref_squeeze %dma_start3A_54 : memref<1x1x128xi32, #tpu.memory_space<hbm>> -> memref<1x128xi32, #tpu.memory_space<hbm>>
      %dma_start3A_56 = arith.constant 0 : i32
      %dma_start3A_57 = arith.constant 0 : i32
      %dma_start3A_58 = tpu.memref_slice %arg7[%dma_start3A_56, %dma_start3A_57] : memref<2x128xi32, #tpu.memory_space<vmem>> -> memref<1x128xi32, #tpu.memory_space<vmem>>
      %dma_start3A_59 = arith.constant 0 : i32
      %dma_start3A_60 = arith.constant 0 : i32
      %dma_start3A_61 = tpu.memref_slice %arg4[%add3A, %dma_start3A_59, %dma_start3A_60] : memref<32x79x128xi32, #tpu.memory_space<hbm>> -> memref<1x1x128xi32, #tpu.memory_space<hbm>>
      %dma_start3A_62 = tpu.memref_squeeze %dma_start3A_61 : memref<1x1x128xi32, #tpu.memory_space<hbm>> -> memref<1x128xi32, #tpu.memory_space<hbm>>
      tpu.enqueue_dma source(%dma_start3A_62 : memref<1x128xi32, #tpu.memory_space<hbm>>) target(%dma_start3A_58 : memref<1x128xi32, #tpu.memory_space<vmem>>) target_semaphore(%run_scoped3A_48 : memref<!tpu.dma_semaphore, #tpu.memory_space<semaphore_mem>>)
      %dma_wait3A_63 = arith.constant 0 : i32
      %dma_wait3A_64 = arith.constant 0 : i32
      %dma_wait3A_65 = tpu.memref_slice %arg7[%dma_wait3A_63, %dma_wait3A_64] : memref<2x128xi32, #tpu.memory_space<vmem>> -> memref<1x128xi32, #tpu.memory_space<vmem>>
      %dma_wait3A_66 = arith.constant 0 : i32
      %dma_wait3A_67 = arith.constant 0 : i32
      %dma_wait3A_68 = tpu.memref_slice %arg4[%add3A, %dma_wait3A_66, %dma_wait3A_67] : memref<32x79x128xi32, #tpu.memory_space<hbm>> -> memref<1x1x128xi32, #tpu.memory_space<hbm>>
      %dma_wait3A_69 = tpu.memref_squeeze %dma_wait3A_68 : memref<1x1x128xi32, #tpu.memory_space<hbm>> -> memref<1x128xi32, #tpu.memory_space<hbm>>
      %dma_wait3A_70 = arith.constant 0 : i32
      %dma_wait3A_71 = arith.constant 0 : i32
      %dma_wait3A_72 = tpu.memref_slice %arg7[%dma_wait3A_70, %dma_wait3A_71] : memref<2x128xi32, #tpu.memory_space<vmem>> -> memref<1x128xi32, #tpu.memory_space<vmem>>
      %dma_wait3A_73 = arith.constant 0 : i32
      %dma_wait3A_74 = arith.constant 0 : i32
      %dma_wait3A_75 = tpu.memref_slice %arg4[%add3A, %dma_wait3A_73, %dma_wait3A_74] : memref<32x79x128xi32, #tpu.memory_space<hbm>> -> memref<1x1x128xi32, #tpu.memory_space<hbm>>
      %dma_wait3A_76 = tpu.memref_squeeze %dma_wait3A_75 : memref<1x1x128xi32, #tpu.memory_space<hbm>> -> memref<1x128xi32, #tpu.memory_space<hbm>>
      tpu.wait_dma2 semaphore(%run_scoped3A_48 : memref<!tpu.dma_semaphore, #tpu.memory_space<semaphore_mem>>) src(%dma_wait3A_76 : memref<1x128xi32, #tpu.memory_space<hbm>>) dst(%dma_wait3A_72 : memref<1x128xi32, #tpu.memory_space<vmem>>)
      tpu.yield
    }) : () -> ()
    %dma_start3A_24 = arith.constant 0 : i32
    %dma_start3A_25 = arith.constant 0 : i32
    %dma_start3A_26 = tpu.memref_slice %arg6[%dma_start3A_24, %dma_start3A_25] : memref<79x128xi32, #tpu.memory_space<vmem>> -> memref<1x128xi32, #tpu.memory_space<vmem>>
    %dma_start3A_27 = tpu.memref_squeeze %dma_start3A_26 : memref<1x128xi32, #tpu.memory_space<vmem>> -> memref<128xi32, #tpu.memory_space<vmem>>
    %dma_start3A_28 = arith.constant 0 : i32
    %dma_start3A_29 = arith.constant 0 : i32
    %dma_start3A_30 = tpu.memref_slice %arg2[%dma_start3A_28, %dma_start3A_29] : memref<10240x64xf32, #tpu.memory_space<hbm>> -> memref<10240x64xf32, #tpu.memory_space<hbm>>
    tpu.enqueue_indirect_dma source(%dma_start3A_30 : memref<10240x64xf32, #tpu.memory_space<hbm>>) target(%arg8 : memref<128x64xf32, #tpu.memory_space<vmem>>) offsets(%dma_start3A_27 : memref<128xi32, #tpu.memory_space<vmem>>) semaphore(%arg12 : memref<!tpu.dma_semaphore, #tpu.memory_space<semaphore_mem>>)
    %scan3A_31 = arith.constant 0 : i32
    %scan3A_32 = arith.constant 39 : i32
    %scan3A_33 = arith.addi %scan3A_31, %scan3A_32 : i32
    %scan3A_34 = arith.constant 1 : i32
    scf.for %scan3A_48 = %scan3A_31 to %scan3A_33 step %scan3A_34  : i32 {
      %mul3A_49 = arith.constant 2 : i32
      %mul3A_50 = arith.muli %scan3A_48, %mul3A_49 : i32
      %add3A_51 = arith.constant 0 : i32
      %add3A_52 = arith.addi %add3A_51, %mul3A_50 : i32
      %add3A_53 = arith.constant 1 : i32
      %add3A_54 = arith.addi %add3A_52, %add3A_53 : i32
      %dma_start3A_55 = arith.constant 1 : i32
      %dma_start3A_56 = arith.constant 0 : i32
      %dma_start3A_57 = tpu.memref_slice %arg7[%dma_start3A_55, %dma_start3A_56] : memref<2x128xi32, #tpu.memory_space<vmem>> -> memref<1x128xi32, #tpu.memory_space<vmem>>
      %dma_start3A_58 = arith.constant 0 : i32
      %dma_start3A_59 = tpu.memref_slice %arg4[%add3A, %add3A_54, %dma_start3A_58] : memref<32x79x128xi32, #tpu.memory_space<hbm>> -> memref<1x1x128xi32, #tpu.memory_space<hbm>>
      %dma_start3A_60 = tpu.memref_squeeze %dma_start3A_59 : memref<1x1x128xi32, #tpu.memory_space<hbm>> -> memref<1x128xi32, #tpu.memory_space<hbm>>
      %dma_start3A_61 = arith.constant 1 : i32
      %dma_start3A_62 = arith.constant 0 : i32
      %dma_start3A_63 = tpu.memref_slice %arg7[%dma_start3A_61, %dma_start3A_62] : memref<2x128xi32, #tpu.memory_space<vmem>> -> memref<1x128xi32, #tpu.memory_space<vmem>>
      %dma_start3A_64 = arith.constant 0 : i32
      %dma_start3A_65 = tpu.memref_slice %arg4[%add3A, %add3A_54, %dma_start3A_64] : memref<32x79x128xi32, #tpu.memory_space<hbm>> -> memref<1x1x128xi32, #tpu.memory_space<hbm>>
      %dma_start3A_66 = tpu.memref_squeeze %dma_start3A_65 : memref<1x1x128xi32, #tpu.memory_space<hbm>> -> memref<1x128xi32, #tpu.memory_space<hbm>>
      tpu.enqueue_dma source(%dma_start3A_66 : memref<1x128xi32, #tpu.memory_space<hbm>>) target(%dma_start3A_63 : memref<1x128xi32, #tpu.memory_space<vmem>>) target_semaphore(%arg14 : memref<!tpu.dma_semaphore, #tpu.memory_space<semaphore_mem>>)
      %dma_wait3A_67 = arith.constant 0 : i32
      %dma_wait3A_68 = tpu.memref_slice %arg6[%add3A_52, %dma_wait3A_67] : memref<79x128xi32, #tpu.memory_space<vmem>> -> memref<1x128xi32, #tpu.memory_space<vmem>>
      %dma_wait3A_69 = tpu.memref_squeeze %dma_wait3A_68 : memref<1x128xi32, #tpu.memory_space<vmem>> -> memref<128xi32, #tpu.memory_space<vmem>>
      %dma_wait3A_70 = arith.constant 0 : i32
      %dma_wait3A_71 = arith.constant 0 : i32
      %dma_wait3A_72 = tpu.memref_slice %arg2[%dma_wait3A_70, %dma_wait3A_71] : memref<10240x64xf32, #tpu.memory_space<hbm>> -> memref<10240x64xf32, #tpu.memory_space<hbm>>
      tpu.wait_indirect_dma semaphore(%arg12 : memref<!tpu.dma_semaphore, #tpu.memory_space<semaphore_mem>>) src(%dma_wait3A_72 : memref<10240x64xf32, #tpu.memory_space<hbm>>) dst(%arg8 : memref<128x64xf32, #tpu.memory_space<vmem>>)
      %add3A_73 = arith.constant 1 : i32
      %add3A_74 = arith.addi %add3A_52, %add3A_73 : i32
      %dma_start3A_75 = arith.constant 0 : i32
      %dma_start3A_76 = tpu.memref_slice %arg6[%add3A_74, %dma_start3A_75] : memref<79x128xi32, #tpu.memory_space<vmem>> -> memref<1x128xi32, #tpu.memory_space<vmem>>
      %dma_start3A_77 = tpu.memref_squeeze %dma_start3A_76 : memref<1x128xi32, #tpu.memory_space<vmem>> -> memref<128xi32, #tpu.memory_space<vmem>>
      %dma_start3A_78 = arith.constant 0 : i32
      %dma_start3A_79 = arith.constant 0 : i32
      %dma_start3A_80 = tpu.memref_slice %arg2[%dma_start3A_78, %dma_start3A_79] : memref<10240x64xf32, #tpu.memory_space<hbm>> -> memref<10240x64xf32, #tpu.memory_space<hbm>>
      tpu.enqueue_indirect_dma source(%dma_start3A_80 : memref<10240x64xf32, #tpu.memory_space<hbm>>) target(%arg9 : memref<128x64xf32, #tpu.memory_space<vmem>>) offsets(%dma_start3A_77 : memref<128xi32, #tpu.memory_space<vmem>>) semaphore(%arg13 : memref<!tpu.dma_semaphore, #tpu.memory_space<semaphore_mem>>)
      %run_scoped3A_81 = arith.constant 0 : i32
      "tpu.region"() ({
        %run_scoped3A_141 = tpu.sem_alloc : memref<!tpu.dma_semaphore, #tpu.memory_space<semaphore_mem>>
        %dma_start3A_142 = arith.constant 0 : i32
        %dma_start3A_143 = tpu.memref_slice %arg7[%run_scoped3A_81, %dma_start3A_142] : memref<2x128xi32, #tpu.memory_space<vmem>> -> memref<1x128xi32, #tpu.memory_space<vmem>>
        %dma_start3A_144 = tpu.memref_squeeze %dma_start3A_143 : memref<1x128xi32, #tpu.memory_space<vmem>> -> memref<128xi32, #tpu.memory_space<vmem>>
        %dma_start3A_145 = arith.constant 0 : i32
        %dma_start3A_146 = arith.constant 0 : i32
        %dma_start3A_147 = tpu.memref_slice %arg11[%dma_start3A_145, %dma_start3A_146] : memref<10240x64xf32, #tpu.memory_space<vmem_shared>> -> memref<10240x64xf32, #tpu.memory_space<vmem_shared>>
        tpu.enqueue_indirect_dma source(%arg8 : memref<128x64xf32, #tpu.memory_space<vmem>>) target(%dma_start3A_147 : memref<10240x64xf32, #tpu.memory_space<vmem_shared>>) offsets(%dma_start3A_144 : memref<128xi32, #tpu.memory_space<vmem>>) semaphore(%run_scoped3A_141 : memref<!tpu.dma_semaphore, #tpu.memory_space<semaphore_mem>>) {add = true}
        %dma_wait3A_148 = arith.constant 0 : i32
        %dma_wait3A_149 = tpu.memref_slice %arg7[%run_scoped3A_81, %dma_wait3A_148] : memref<2x128xi32, #tpu.memory_space<vmem>> -> memref<1x128xi32, #tpu.memory_space<vmem>>
        %dma_wait3A_150 = tpu.memref_squeeze %dma_wait3A_149 : memref<1x128xi32, #tpu.memory_space<vmem>> -> memref<128xi32, #tpu.memory_space<vmem>>
        %dma_wait3A_151 = arith.constant 0 : i32
        %dma_wait3A_152 = arith.constant 0 : i32
        %dma_wait3A_153 = tpu.memref_slice %arg11[%dma_wait3A_151, %dma_wait3A_152] : memref<10240x64xf32, #tpu.memory_space<vmem_shared>> -> memref<10240x64xf32, #tpu.memory_space<vmem_shared>>
        tpu.wait_indirect_dma semaphore(%run_scoped3A_141 : memref<!tpu.dma_semaphore, #tpu.memory_space<semaphore_mem>>) src(%arg8 : memref<128x64xf32, #tpu.memory_space<vmem>>) dst(%dma_wait3A_153 : memref<10240x64xf32, #tpu.memory_space<vmem_shared>>)
        tpu.yield
      }) : () -> ()
      %add3A_82 = arith.constant 1 : i32
      %add3A_83 = arith.addi %add3A_52, %add3A_82 : i32
      %dma_wait3A_84 = arith.constant 1 : i32
      %dma_wait3A_85 = arith.constant 0 : i32
      %dma_wait3A_86 = tpu.memref_slice %arg7[%dma_wait3A_84, %dma_wait3A_85] : memref<2x128xi32, #tpu.memory_space<vmem>> -> memref<1x128xi32, #tpu.memory_space<vmem>>
      %dma_wait3A_87 = arith.constant 0 : i32
      %dma_wait3A_88 = tpu.memref_slice %arg4[%add3A, %add3A_83, %dma_wait3A_87] : memref<32x79x128xi32, #tpu.memory_space<hbm>> -> memref<1x1x128xi32, #tpu.memory_space<hbm>>
      %dma_wait3A_89 = tpu.memref_squeeze %dma_wait3A_88 : memref<1x1x128xi32, #tpu.memory_space<hbm>> -> memref<1x128xi32, #tpu.memory_space<hbm>>
      %dma_wait3A_90 = arith.constant 1 : i32
      %dma_wait3A_91 = arith.constant 0 : i32
      %dma_wait3A_92 = tpu.memref_slice %arg7[%dma_wait3A_90, %dma_wait3A_91] : memref<2x128xi32, #tpu.memory_space<vmem>> -> memref<1x128xi32, #tpu.memory_space<vmem>>
      %dma_wait3A_93 = arith.constant 0 : i32
      %dma_wait3A_94 = tpu.memref_slice %arg4[%add3A, %add3A_83, %dma_wait3A_93] : memref<32x79x128xi32, #tpu.memory_space<hbm>> -> memref<1x1x128xi32, #tpu.memory_space<hbm>>
      %dma_wait3A_95 = tpu.memref_squeeze %dma_wait3A_94 : memref<1x1x128xi32, #tpu.memory_space<hbm>> -> memref<1x128xi32, #tpu.memory_space<hbm>>
      tpu.wait_dma2 semaphore(%arg14 : memref<!tpu.dma_semaphore, #tpu.memory_space<semaphore_mem>>) src(%dma_wait3A_95 : memref<1x128xi32, #tpu.memory_space<hbm>>) dst(%dma_wait3A_92 : memref<1x128xi32, #tpu.memory_space<vmem>>)
      %add3A_96 = arith.constant 2 : i32
      %add3A_97 = arith.addi %add3A_52, %add3A_96 : i32
      %dma_start3A_98 = arith.constant 0 : i32
      %dma_start3A_99 = arith.constant 0 : i32
      %dma_start3A_100 = tpu.memref_slice %arg7[%dma_start3A_98, %dma_start3A_99] : memref<2x128xi32, #tpu.memory_space<vmem>> -> memref<1x128xi32, #tpu.memory_space<vmem>>
      %dma_start3A_101 = arith.constant 0 : i32
      %dma_start3A_102 = tpu.memref_slice %arg4[%add3A, %add3A_97, %dma_start3A_101] : memref<32x79x128xi32, #tpu.memory_space<hbm>> -> memref<1x1x128xi32, #tpu.memory_space<hbm>>
      %dma_start3A_103 = tpu.memref_squeeze %dma_start3A_102 : memref<1x1x128xi32, #tpu.memory_space<hbm>> -> memref<1x128xi32, #tpu.memory_space<hbm>>
      %dma_start3A_104 = arith.constant 0 : i32
      %dma_start3A_105 = arith.constant 0 : i32
      %dma_start3A_106 = tpu.memref_slice %arg7[%dma_start3A_104, %dma_start3A_105] : memref<2x128xi32, #tpu.memory_space<vmem>> -> memref<1x128xi32, #tpu.memory_space<vmem>>
      %dma_start3A_107 = arith.constant 0 : i32
      %dma_start3A_108 = tpu.memref_slice %arg4[%add3A, %add3A_97, %dma_start3A_107] : memref<32x79x128xi32, #tpu.memory_space<hbm>> -> memref<1x1x128xi32, #tpu.memory_space<hbm>>
      %dma_start3A_109 = tpu.memref_squeeze %dma_start3A_108 : memref<1x1x128xi32, #tpu.memory_space<hbm>> -> memref<1x128xi32, #tpu.memory_space<hbm>>
      tpu.enqueue_dma source(%dma_start3A_109 : memref<1x128xi32, #tpu.memory_space<hbm>>) target(%dma_start3A_106 : memref<1x128xi32, #tpu.memory_space<vmem>>) target_semaphore(%arg14 : memref<!tpu.dma_semaphore, #tpu.memory_space<semaphore_mem>>)
      %add3A_110 = arith.constant 1 : i32
      %add3A_111 = arith.addi %add3A_52, %add3A_110 : i32
      %dma_wait3A_112 = arith.constant 0 : i32
      %dma_wait3A_113 = tpu.memref_slice %arg6[%add3A_111, %dma_wait3A_112] : memref<79x128xi32, #tpu.memory_space<vmem>> -> memref<1x128xi32, #tpu.memory_space<vmem>>
      %dma_wait3A_114 = tpu.memref_squeeze %dma_wait3A_113 : memref<1x128xi32, #tpu.memory_space<vmem>> -> memref<128xi32, #tpu.memory_space<vmem>>
      %dma_wait3A_115 = arith.constant 0 : i32
      %dma_wait3A_116 = arith.constant 0 : i32
      %dma_wait3A_117 = tpu.memref_slice %arg2[%dma_wait3A_115, %dma_wait3A_116] : memref<10240x64xf32, #tpu.memory_space<hbm>> -> memref<10240x64xf32, #tpu.memory_space<hbm>>
      tpu.wait_indirect_dma semaphore(%arg13 : memref<!tpu.dma_semaphore, #tpu.memory_space<semaphore_mem>>) src(%dma_wait3A_117 : memref<10240x64xf32, #tpu.memory_space<hbm>>) dst(%arg9 : memref<128x64xf32, #tpu.memory_space<vmem>>)
      %add3A_118 = arith.constant 2 : i32
      %add3A_119 = arith.addi %add3A_52, %add3A_118 : i32
      %dma_start3A_120 = arith.constant 0 : i32
      %dma_start3A_121 = tpu.memref_slice %arg6[%add3A_119, %dma_start3A_120] : memref<79x128xi32, #tpu.memory_space<vmem>> -> memref<1x128xi32, #tpu.memory_space<vmem>>
      %dma_start3A_122 = tpu.memref_squeeze %dma_start3A_121 : memref<1x128xi32, #tpu.memory_space<vmem>> -> memref<128xi32, #tpu.memory_space<vmem>>
      %dma_start3A_123 = arith.constant 0 : i32
      %dma_start3A_124 = arith.constant 0 : i32
      %dma_start3A_125 = tpu.memref_slice %arg2[%dma_start3A_123, %dma_start3A_124] : memref<10240x64xf32, #tpu.memory_space<hbm>> -> memref<10240x64xf32, #tpu.memory_space<hbm>>
      tpu.enqueue_indirect_dma source(%dma_start3A_125 : memref<10240x64xf32, #tpu.memory_space<hbm>>) target(%arg8 : memref<128x64xf32, #tpu.memory_space<vmem>>) offsets(%dma_start3A_122 : memref<128xi32, #tpu.memory_space<vmem>>) semaphore(%arg12 : memref<!tpu.dma_semaphore, #tpu.memory_space<semaphore_mem>>)
      %run_scoped3A_126 = arith.constant 1 : i32
      "tpu.region"() ({
        %run_scoped3A_141 = tpu.sem_alloc : memref<!tpu.dma_semaphore, #tpu.memory_space<semaphore_mem>>
        %dma_start3A_142 = arith.constant 0 : i32
        %dma_start3A_143 = tpu.memref_slice %arg7[%run_scoped3A_126, %dma_start3A_142] : memref<2x128xi32, #tpu.memory_space<vmem>> -> memref<1x128xi32, #tpu.memory_space<vmem>>
        %dma_start3A_144 = tpu.memref_squeeze %dma_start3A_143 : memref<1x128xi32, #tpu.memory_space<vmem>> -> memref<128xi32, #tpu.memory_space<vmem>>
        %dma_start3A_145 = arith.constant 0 : i32
        %dma_start3A_146 = arith.constant 0 : i32
        %dma_start3A_147 = tpu.memref_slice %arg11[%dma_start3A_145, %dma_start3A_146] : memref<10240x64xf32, #tpu.memory_space<vmem_shared>> -> memref<10240x64xf32, #tpu.memory_space<vmem_shared>>
        tpu.enqueue_indirect_dma source(%arg9 : memref<128x64xf32, #tpu.memory_space<vmem>>) target(%dma_start3A_147 : memref<10240x64xf32, #tpu.memory_space<vmem_shared>>) offsets(%dma_start3A_144 : memref<128xi32, #tpu.memory_space<vmem>>) semaphore(%run_scoped3A_141 : memref<!tpu.dma_semaphore, #tpu.memory_space<semaphore_mem>>) {add = true}
        %dma_wait3A_148 = arith.constant 0 : i32
        %dma_wait3A_149 = tpu.memref_slice %arg7[%run_scoped3A_126, %dma_wait3A_148] : memref<2x128xi32, #tpu.memory_space<vmem>> -> memref<1x128xi32, #tpu.memory_space<vmem>>
        %dma_wait3A_150 = tpu.memref_squeeze %dma_wait3A_149 : memref<1x128xi32, #tpu.memory_space<vmem>> -> memref<128xi32, #tpu.memory_space<vmem>>
        %dma_wait3A_151 = arith.constant 0 : i32
        %dma_wait3A_152 = arith.constant 0 : i32
        %dma_wait3A_153 = tpu.memref_slice %arg11[%dma_wait3A_151, %dma_wait3A_152] : memref<10240x64xf32, #tpu.memory_space<vmem_shared>> -> memref<10240x64xf32, #tpu.memory_space<vmem_shared>>
        tpu.wait_indirect_dma semaphore(%run_scoped3A_141 : memref<!tpu.dma_semaphore, #tpu.memory_space<semaphore_mem>>) src(%arg9 : memref<128x64xf32, #tpu.memory_space<vmem>>) dst(%dma_wait3A_153 : memref<10240x64xf32, #tpu.memory_space<vmem_shared>>)
        tpu.yield
      }) : () -> ()
      %add3A_127 = arith.constant 2 : i32
      %add3A_128 = arith.addi %add3A_52, %add3A_127 : i32
      %dma_wait3A_129 = arith.constant 0 : i32
      %dma_wait3A_130 = arith.constant 0 : i32
      %dma_wait3A_131 = tpu.memref_slice %arg7[%dma_wait3A_129, %dma_wait3A_130] : memref<2x128xi32, #tpu.memory_space<vmem>> -> memref<1x128xi32, #tpu.memory_space<vmem>>
      %dma_wait3A_132 = arith.constant 0 : i32
      %dma_wait3A_133 = tpu.memref_slice %arg4[%add3A, %add3A_128, %dma_wait3A_132] : memref<32x79x128xi32, #tpu.memory_space<hbm>> -> memref<1x1x128xi32, #tpu.memory_space<hbm>>
      %dma_wait3A_134 = tpu.memref_squeeze %dma_wait3A_133 : memref<1x1x128xi32, #tpu.memory_space<hbm>> -> memref<1x128xi32, #tpu.memory_space<hbm>>
      %dma_wait3A_135 = arith.constant 0 : i32
      %dma_wait3A_136 = arith.constant 0 : i32
      %dma_wait3A_137 = tpu.memref_slice %arg7[%dma_wait3A_135, %dma_wait3A_136] : memref<2x128xi32, #tpu.memory_space<vmem>> -> memref<1x128xi32, #tpu.memory_space<vmem>>
      %dma_wait3A_138 = arith.constant 0 : i32
      %dma_wait3A_139 = tpu.memref_slice %arg4[%add3A, %add3A_128, %dma_wait3A_138] : memref<32x79x128xi32, #tpu.memory_space<hbm>> -> memref<1x1x128xi32, #tpu.memory_space<hbm>>
      %dma_wait3A_140 = tpu.memref_squeeze %dma_wait3A_139 : memref<1x1x128xi32, #tpu.memory_space<hbm>> -> memref<1x128xi32, #tpu.memory_space<hbm>>
      tpu.wait_dma2 semaphore(%arg14 : memref<!tpu.dma_semaphore, #tpu.memory_space<semaphore_mem>>) src(%dma_wait3A_140 : memref<1x128xi32, #tpu.memory_space<hbm>>) dst(%dma_wait3A_137 : memref<1x128xi32, #tpu.memory_space<vmem>>)
    }
    %scan3A_35 = arith.constant 39 : i32
    %dma_wait3A_36 = arith.constant 78 : i32
    %dma_wait3A_37 = arith.constant 0 : i32
    %dma_wait3A_38 = tpu.memref_slice %arg6[%dma_wait3A_36, %dma_wait3A_37] : memref<79x128xi32, #tpu.memory_space<vmem>> -> memref<1x128xi32, #tpu.memory_space<vmem>>
    %dma_wait3A_39 = tpu.memref_squeeze %dma_wait3A_38 : memref<1x128xi32, #tpu.memory_space<vmem>> -> memref<128xi32, #tpu.memory_space<vmem>>
    %dma_wait3A_40 = arith.constant 0 : i32
    %dma_wait3A_41 = arith.constant 0 : i32
    %dma_wait3A_42 = tpu.memref_slice %arg2[%dma_wait3A_40, %dma_wait3A_41] : memref<10240x64xf32, #tpu.memory_space<hbm>> -> memref<10240x64xf32, #tpu.memory_space<hbm>>
    tpu.wait_indirect_dma semaphore(%arg12 : memref<!tpu.dma_semaphore, #tpu.memory_space<semaphore_mem>>) src(%dma_wait3A_42 : memref<10240x64xf32, #tpu.memory_space<hbm>>) dst(%arg8 : memref<128x64xf32, #tpu.memory_space<vmem>>)
    %run_scoped3A = arith.constant 0 : i32
    "tpu.region"() ({
      %run_scoped3A_48 = tpu.sem_alloc : memref<!tpu.dma_semaphore, #tpu.memory_space<semaphore_mem>>
      %dma_start3A_49 = arith.constant 0 : i32
      %dma_start3A_50 = tpu.memref_slice %arg7[%run_scoped3A, %dma_start3A_49] : memref<2x128xi32, #tpu.memory_space<vmem>> -> memref<1x128xi32, #tpu.memory_space<vmem>>
      %dma_start3A_51 = tpu.memref_squeeze %dma_start3A_50 : memref<1x128xi32, #tpu.memory_space<vmem>> -> memref<128xi32, #tpu.memory_space<vmem>>
      %dma_start3A_52 = arith.constant 0 : i32
      %dma_start3A_53 = arith.constant 0 : i32
      %dma_start3A_54 = tpu.memref_slice %arg11[%dma_start3A_52, %dma_start3A_53] : memref<10240x64xf32, #tpu.memory_space<vmem_shared>> -> memref<10240x64xf32, #tpu.memory_space<vmem_shared>>
      tpu.enqueue_indirect_dma source(%arg8 : memref<128x64xf32, #tpu.memory_space<vmem>>) target(%dma_start3A_54 : memref<10240x64xf32, #tpu.memory_space<vmem_shared>>) offsets(%dma_start3A_51 : memref<128xi32, #tpu.memory_space<vmem>>) semaphore(%run_scoped3A_48 : memref<!tpu.dma_semaphore, #tpu.memory_space<semaphore_mem>>) {add = true}
      %dma_wait3A_55 = arith.constant 0 : i32
      %dma_wait3A_56 = tpu.memref_slice %arg7[%run_scoped3A, %dma_wait3A_55] : memref<2x128xi32, #tpu.memory_space<vmem>> -> memref<1x128xi32, #tpu.memory_space<vmem>>
      %dma_wait3A_57 = tpu.memref_squeeze %dma_wait3A_56 : memref<1x128xi32, #tpu.memory_space<vmem>> -> memref<128xi32, #tpu.memory_space<vmem>>
      %dma_wait3A_58 = arith.constant 0 : i32
      %dma_wait3A_59 = arith.constant 0 : i32
      %dma_wait3A_60 = tpu.memref_slice %arg11[%dma_wait3A_58, %dma_wait3A_59] : memref<10240x64xf32, #tpu.memory_space<vmem_shared>> -> memref<10240x64xf32, #tpu.memory_space<vmem_shared>>
      tpu.wait_indirect_dma semaphore(%run_scoped3A_48 : memref<!tpu.dma_semaphore, #tpu.memory_space<semaphore_mem>>) src(%arg8 : memref<128x64xf32, #tpu.memory_space<vmem>>) dst(%dma_wait3A_60 : memref<10240x64xf32, #tpu.memory_space<vmem_shared>>)
      tpu.yield
    }) : () -> ()
    %barrier3A_43 = arith.constant 0 : index
    tpu.barrier barrier_id(%barrier3A_43)
    %mul3A_44 = arith.constant 640 : i32
    %mul3A_45 = arith.muli %arg1, %mul3A_44 : i32
    %mul3A_46 = arith.constant 640 : i32
    %mul3A_47 = arith.muli %arg1, %mul3A_46 : i32
    "tpu.region"() ({
      %run_scoped3A_48 = tpu.sem_alloc : memref<!tpu.dma_semaphore, #tpu.memory_space<semaphore_mem>>
      %dma_start3A_49 = arith.constant 0 : i32
      %dma_start3A_50 = tpu.memref_slice %arg5[%arg0, %mul3A_47, %dma_start3A_49] : memref<2x10240x64xf32, #tpu.memory_space<hbm>> -> memref<1x640x64xf32, #tpu.memory_space<hbm>>
      %dma_start3A_51 = tpu.memref_squeeze %dma_start3A_50 : memref<1x640x64xf32, #tpu.memory_space<hbm>> -> memref<640x64xf32, #tpu.memory_space<hbm>>
      %dma_start3A_52 = arith.constant 0 : i32
      %dma_start3A_53 = tpu.memref_slice %arg11[%mul3A_45, %dma_start3A_52] : memref<10240x64xf32, #tpu.memory_space<vmem_shared>> -> memref<640x64xf32, #tpu.memory_space<vmem_shared>>
      tpu.enqueue_dma source(%dma_start3A_53 : memref<640x64xf32, #tpu.memory_space<vmem_shared>>) target(%dma_start3A_51 : memref<640x64xf32, #tpu.memory_space<hbm>>) target_semaphore(%run_scoped3A_48 : memref<!tpu.dma_semaphore, #tpu.memory_space<semaphore_mem>>)
      %dma_wait3A_54 = arith.constant 0 : i32
      %dma_wait3A_55 = tpu.memref_slice %arg5[%arg0, %mul3A_47, %dma_wait3A_54] : memref<2x10240x64xf32, #tpu.memory_space<hbm>> -> memref<1x640x64xf32, #tpu.memory_space<hbm>>
      %dma_wait3A_56 = tpu.memref_squeeze %dma_wait3A_55 : memref<1x640x64xf32, #tpu.memory_space<hbm>> -> memref<640x64xf32, #tpu.memory_space<hbm>>
      %dma_wait3A_57 = arith.constant 0 : i32
      %dma_wait3A_58 = tpu.memref_slice %arg11[%mul3A_45, %dma_wait3A_57] : memref<10240x64xf32, #tpu.memory_space<vmem_shared>> -> memref<640x64xf32, #tpu.memory_space<vmem_shared>>
      tpu.wait_dma2 semaphore(%run_scoped3A_48 : memref<!tpu.dma_semaphore, #tpu.memory_space<semaphore_mem>>) src(%dma_wait3A_58 : memref<640x64xf32, #tpu.memory_space<vmem_shared>>) dst(%dma_wait3A_56 : memref<640x64xf32, #tpu.memory_space<hbm>>)
      tpu.yield
    }) : () -> ()
    return
  }
}

module attributes {stable_mosaic.version = 14 : i64} {
  func.func @_mm_body(%arg0: i32, %arg1: memref<256x128xf32, #tpu.memory_space<vmem>>, %arg2: memref<128x128xf32, #tpu.memory_space<vmem>>, %arg3: memref<256x128xf32, #tpu.memory_space<vmem>>) attributes {dimension_semantics = [#tpu.dimension_semantics<arbitrary>], iteration_bounds = array<i64: 40>, scalar_prefetch = 0 : i64, scratch_operands = 0 : i64, tpu.core_type = #tpu.core_type<tc>, window_params = [{transform_indices = @transform_0, window_bounds = array<i64: 256, 128>}, {pipeline_mode = #tpu.pipeline_mode<synchronous>, transform_indices = @transform_1, window_bounds = array<i64: 128, 128>}, {transform_indices = @transform_2, window_bounds = array<i64: 256, 128>}]} {
    %get3A = arith.constant 0 : index
    %get3A_0 = arith.constant 0 : index
    %get3A_1 = vector.load %arg1[%get3A, %get3A_0] : memref<256x128xf32, #tpu.memory_space<vmem>>, vector<256x128xf32>
    %get3A_2 = arith.constant 0 : index
    %get3A_3 = arith.constant 0 : index
    %get3A_4 = vector.load %arg2[%get3A_2, %get3A_3] : memref<128x128xf32, #tpu.memory_space<vmem>>, vector<128x128xf32>
    %dot_general3A = arith.constant dense<0.000000e+00> : vector<256x128xf32>
    %dot_general3A_5 = tpu.matmul %get3A_1, %get3A_4, %dot_general3A {dimension_numbers = #tpu.dot_dimension_numbers<[1], [0], [0], [1], [0, 0, 1, 1], [], []>, transpose_lhs_hint = false} : vector<256x128xf32>, vector<128x128xf32>, vector<256x128xf32> -> vector<256x128xf32>
    %swap3A = arith.constant 0 : index
    %swap3A_6 = arith.constant 0 : index
    %swap3A_7 = vector.load %arg3[%swap3A, %swap3A_6] : memref<256x128xf32, #tpu.memory_space<vmem>>, vector<256x128xf32>
    tpu.vector_store %arg3[%swap3A, %swap3A_6], %dot_general3A_5 {strides = array<i32>} : memref<256x128xf32, #tpu.memory_space<vmem>>, vector<256x128xf32>,
    return
  }
  func.func @transform_0(%arg0: i32) -> (i32, i32) {
    %c0_i32 = arith.constant 0 : i32
    %c0_i32_0 = arith.constant 0 : i32
    return %arg0, %c0_i32 : i32, i32
  }
  func.func @transform_1(%arg0: i32) -> (i32, i32) {
    %c0_i32 = arith.constant 0 : i32
    %c0_i32_0 = arith.constant 0 : i32
    %c0_i32_1 = arith.constant 0 : i32
    return %c0_i32, %c0_i32_0 : i32, i32
  }
  func.func @transform_2(%arg0: i32) -> (i32, i32) {
    %c0_i32 = arith.constant 0 : i32
    %c0_i32_0 = arith.constant 0 : i32
    return %arg0, %c0_i32 : i32, i32
  }
}

module attributes {stable_mosaic.version = 14 : i64} {
  func.func @body(%arg0: i32, %arg1: memref<256x128xf32, #tpu.memory_space<vmem>>, %arg2: memref<2x256x16xf32, #tpu.memory_space<vmem>>, %arg3: memref<256x128xf32, #tpu.memory_space<vmem>>, %arg4: memref<256x128xf32, #tpu.memory_space<vmem>>, %arg5: memref<256x1xf32, #tpu.memory_space<vmem>>) attributes {dimension_semantics = [#tpu.dimension_semantics<arbitrary>], iteration_bounds = array<i64: 40>, scalar_prefetch = 0 : i64, scratch_operands = 0 : i64, tpu.core_type = #tpu.core_type<tc>, window_params = [{transform_indices = @transform_0, window_bounds = array<i64: 256, 128>}, {transform_indices = @transform_1, window_bounds = array<i64: 2, 256, 16>}, {transform_indices = @transform_2, window_bounds = array<i64: 256, 128>}, {transform_indices = @transform_3, window_bounds = array<i64: 256, 128>}, {transform_indices = @transform_4, window_bounds = array<i64: 256, 1>}]} {
    %get3A = arith.constant 0 : index
    %get3A_0 = arith.constant 0 : index
    %get3A_1 = arith.constant 0 : index
    %get3A_2 = vector.load %arg2[%get3A, %get3A_0, %get3A_1] : memref<2x256x16xf32, #tpu.memory_space<vmem>>, vector<1x256x16xf32>
    %get3A_3 = vector.shape_cast %get3A_2 : vector<1x256x16xf32> to vector<256x16xf32>
    %slice3A = vector.extract_strided_slice %get3A_3 {offsets = [0, 0], sizes = [256, 1], strides = [1, 1]} : vector<256x16xf32> to vector<256x1xf32>
    %get3A_4 = arith.constant 1 : index
    %get3A_5 = arith.constant 0 : index
    %get3A_6 = arith.constant 0 : index
    %get3A_7 = vector.load %arg2[%get3A_4, %get3A_5, %get3A_6] : memref<2x256x16xf32, #tpu.memory_space<vmem>>, vector<1x256x16xf32>
    %get3A_8 = vector.shape_cast %get3A_7 : vector<1x256x16xf32> to vector<256x16xf32>
    %slice3A_9 = vector.extract_strided_slice %get3A_8 {offsets = [0, 0], sizes = [256, 1], strides = [1, 1]} : vector<256x16xf32> to vector<256x1xf32>
    %add3A = arith.addf %slice3A, %slice3A_9 : vector<256x1xf32>
    %add3A_10 = arith.constant 1.000000e+00 : f32
    %add3A_11 = vector.broadcast %add3A_10 : f32 to vector<256x1xf32>
    %add3A_12 = arith.addf %add3A, %add3A_11 : vector<256x1xf32>
    %rsqrt3A = math.rsqrt %add3A_12 : vector<256x1xf32>
    %iota3A = tpu.iota {dimensions = array<i32: 0>} : vector<256x1xi32>
    %mul3A = arith.constant 256 : i32
    %mul3A_13 = arith.muli %arg0, %mul3A : i32
    %add3A_14 = vector.broadcast %mul3A_13 : i32 to vector<256x1xi32>
    %add3A_15 = arith.addi %iota3A, %add3A_14 : vector<256x1xi32>
    %lt3A = arith.constant 10000 : i32
    %lt3A_16 = vector.broadcast %lt3A : i32 to vector<256x1xi32>
    %lt3A_17 = arith.cmpi slt, %add3A_15, %lt3A_16 : vector<256x1xi32>
    %jit3A = arith.constant 0.000000e+00 : f32
    %broadcast_in_dim3A = vector.broadcast %jit3A : f32 to vector<256x1xf32>
    %select_n3A = arith.select %lt3A_17, %rsqrt3A, %broadcast_in_dim3A : vector<256x1xi1>, vector<256x1xf32>
    %get3A_18 = arith.constant 0 : index
    %get3A_19 = arith.constant 0 : index
    %get3A_20 = vector.load %arg1[%get3A_18, %get3A_19] : memref<256x128xf32, #tpu.memory_space<vmem>>, vector<256x128xf32>
    %mul3A_21 = vector.broadcast %select_n3A : vector<256x1xf32> to vector<256x128xf32>
    %mul3A_22 = arith.mulf %get3A_20, %mul3A_21 : vector<256x128xf32>
    %swap3A = arith.constant 0 : index
    %swap3A_23 = arith.constant 0 : index
    %swap3A_24 = vector.load %arg3[%swap3A, %swap3A_23] : memref<256x128xf32, #tpu.memory_space<vmem>>, vector<256x128xf32>
    tpu.vector_store %arg3[%swap3A, %swap3A_23], %mul3A_22 {strides = array<i32>} : memref<256x128xf32, #tpu.memory_space<vmem>>, vector<256x128xf32>,
    %mul3A_25 = vector.broadcast %select_n3A : vector<256x1xf32> to vector<256x128xf32>
    %mul3A_26 = arith.mulf %mul3A_22, %mul3A_25 : vector<256x128xf32>
    %swap3A_27 = arith.constant 0 : index
    %swap3A_28 = arith.constant 0 : index
    %swap3A_29 = vector.load %arg4[%swap3A_27, %swap3A_28] : memref<256x128xf32, #tpu.memory_space<vmem>>, vector<256x128xf32>
    tpu.vector_store %arg4[%swap3A_27, %swap3A_28], %mul3A_26 {strides = array<i32>} : memref<256x128xf32, #tpu.memory_space<vmem>>, vector<256x128xf32>,
    %swap3A_30 = arith.constant 0 : index
    %swap3A_31 = arith.constant 0 : index
    %swap3A_32 = vector.load %arg5[%swap3A_30, %swap3A_31] : memref<256x1xf32, #tpu.memory_space<vmem>>, vector<256x1xf32>
    tpu.vector_store %arg5[%swap3A_30, %swap3A_31], %select_n3A {strides = array<i32>} : memref<256x1xf32, #tpu.memory_space<vmem>>, vector<256x1xf32>,
    return
  }
  func.func @transform_0(%arg0: i32) -> (i32, i32) {
    %c0_i32 = arith.constant 0 : i32
    %c0_i32_0 = arith.constant 0 : i32
    return %arg0, %c0_i32 : i32, i32
  }
  func.func @transform_1(%arg0: i32) -> (i32, i32, i32) {
    %c0_i32 = arith.constant 0 : i32
    %c0_i32_0 = arith.constant 0 : i32
    %c0_i32_1 = arith.constant 0 : i32
    return %c0_i32, %arg0, %c0_i32_0 : i32, i32, i32
  }
  func.func @transform_2(%arg0: i32) -> (i32, i32) {
    %c0_i32 = arith.constant 0 : i32
    %c0_i32_0 = arith.constant 0 : i32
    return %arg0, %c0_i32 : i32, i32
  }
  func.func @transform_3(%arg0: i32) -> (i32, i32) {
    %c0_i32 = arith.constant 0 : i32
    %c0_i32_0 = arith.constant 0 : i32
    return %arg0, %c0_i32 : i32, i32
  }
  func.func @transform_4(%arg0: i32) -> (i32, i32) {
    %c0_i32 = arith.constant 0 : i32
    %c0_i32_0 = arith.constant 0 : i32
    return %arg0, %c0_i32 : i32, i32
  }
}

module attributes {stable_mosaic.version = 14 : i64} {
  func.func @body(%arg0: i32, %arg1: memref<2x256x128xf32, #tpu.memory_space<vmem>>, %arg2: memref<256x128xf32, #tpu.memory_space<vmem>>, %arg3: memref<256x1xf32, #tpu.memory_space<vmem>>, %arg4: memref<1x128xf32, #tpu.memory_space<vmem>>, %arg5: memref<128x64xf32, #tpu.memory_space<vmem>>, %arg6: memref<256x64xf32, #tpu.memory_space<vmem>>, %arg7: memref<256x64xf32, #tpu.memory_space<vmem>>) attributes {dimension_semantics = [#tpu.dimension_semantics<arbitrary>], iteration_bounds = array<i64: 40>, scalar_prefetch = 0 : i64, scratch_operands = 0 : i64, tpu.core_type = #tpu.core_type<tc>, window_params = [{transform_indices = @transform_0, window_bounds = array<i64: 2, 256, 128>}, {transform_indices = @transform_1, window_bounds = array<i64: 256, 128>}, {transform_indices = @transform_2, window_bounds = array<i64: 256, 1>}, {pipeline_mode = #tpu.pipeline_mode<synchronous>, transform_indices = @transform_3, window_bounds = array<i64: 1, 128>}, {pipeline_mode = #tpu.pipeline_mode<synchronous>, transform_indices = @transform_4, window_bounds = array<i64: 128, 64>}, {transform_indices = @transform_5, window_bounds = array<i64: 256, 64>}, {transform_indices = @transform_6, window_bounds = array<i64: 256, 64>}]} {
    %get3A = arith.constant 0 : index
    %get3A_0 = arith.constant 0 : index
    %get3A_1 = vector.load %arg3[%get3A, %get3A_0] : memref<256x1xf32, #tpu.memory_space<vmem>>, vector<256x1xf32>
    %get3A_2 = arith.constant 0 : index
    %get3A_3 = arith.constant 0 : index
    %get3A_4 = arith.constant 0 : index
    %get3A_5 = vector.load %arg1[%get3A_2, %get3A_3, %get3A_4] : memref<2x256x128xf32, #tpu.memory_space<vmem>>, vector<1x256x128xf32>
    %get3A_6 = vector.shape_cast %get3A_5 : vector<1x256x128xf32> to vector<256x128xf32>
    %get3A_7 = arith.constant 1 : index
    %get3A_8 = arith.constant 0 : index
    %get3A_9 = arith.constant 0 : index
    %get3A_10 = vector.load %arg1[%get3A_7, %get3A_8, %get3A_9] : memref<2x256x128xf32, #tpu.memory_space<vmem>>, vector<1x256x128xf32>
    %get3A_11 = vector.shape_cast %get3A_10 : vector<1x256x128xf32> to vector<256x128xf32>
    %add3A = arith.addf %get3A_6, %get3A_11 : vector<256x128xf32>
    %mul3A = vector.broadcast %get3A_1 : vector<256x1xf32> to vector<256x128xf32>
    %mul3A_12 = arith.mulf %add3A, %mul3A : vector<256x128xf32>
    %get3A_13 = arith.constant 0 : index
    %get3A_14 = arith.constant 0 : index
    %get3A_15 = vector.load %arg2[%get3A_13, %get3A_14] : memref<256x128xf32, #tpu.memory_space<vmem>>, vector<256x128xf32>
    %add3A_16 = arith.addf %mul3A_12, %get3A_15 : vector<256x128xf32>
    %get3A_17 = arith.constant 0 : index
    %get3A_18 = arith.constant 0 : index
    %get3A_19 = vector.load %arg4[%get3A_17, %get3A_18] : memref<1x128xf32, #tpu.memory_space<vmem>>, vector<1x128xf32>
    %add3A_20 = vector.broadcast %get3A_19 : vector<1x128xf32> to vector<256x128xf32>
    %add3A_21 = arith.addf %add3A_16, %add3A_20 : vector<256x128xf32>
    %max3A = arith.constant 0.000000e+00 : f32
    %max3A_22 = vector.broadcast %max3A : f32 to vector<256x128xf32>
    %max3A_23 = arith.maximumf %add3A_21, %max3A_22 : vector<256x128xf32>
    %iota3A = tpu.iota {dimensions = array<i32: 0>} : vector<256x1xi32>
    %mul3A_24 = arith.constant 256 : i32
    %mul3A_25 = arith.muli %arg0, %mul3A_24 : i32
    %add3A_26 = vector.broadcast %mul3A_25 : i32 to vector<256x1xi32>
    %add3A_27 = arith.addi %iota3A, %add3A_26 : vector<256x1xi32>
    %lt3A = arith.constant 10000 : i32
    %lt3A_28 = vector.broadcast %lt3A : i32 to vector<256x1xi32>
    %lt3A_29 = arith.cmpi slt, %add3A_27, %lt3A_28 : vector<256x1xi32>
    %jit3A = arith.constant 0.000000e+00 : f32
    %broadcast_in_dim3A = vector.shape_cast %lt3A_29 : vector<256x1xi1> to vector<256x1xi1>
    %broadcast_in_dim3A_30 = vector.broadcast %broadcast_in_dim3A : vector<256x1xi1> to vector<256x128xi1>
    %broadcast_in_dim3A_31 = vector.broadcast %jit3A : f32 to vector<256x128xf32>
    %select_n3A = arith.select %broadcast_in_dim3A_30, %max3A_23, %broadcast_in_dim3A_31 : vector<256x128xi1>, vector<256x128xf32>
    %get3A_32 = arith.constant 0 : index
    %get3A_33 = arith.constant 0 : index
    %get3A_34 = vector.load %arg5[%get3A_32, %get3A_33] : memref<128x64xf32, #tpu.memory_space<vmem>>, vector<128x64xf32>
    %dot_general3A = arith.constant dense<0.000000e+00> : vector<256x64xf32>
    %dot_general3A_35 = tpu.matmul %select_n3A, %get3A_34, %dot_general3A {dimension_numbers = #tpu.dot_dimension_numbers<[1], [0], [0], [1], [0, 0, 1, 1], [], []>, transpose_lhs_hint = false} : vector<256x128xf32>, vector<128x64xf32>, vector<256x64xf32> -> vector<256x64xf32>
    %mul3A_36 = vector.broadcast %get3A_1 : vector<256x1xf32> to vector<256x64xf32>
    %mul3A_37 = arith.mulf %dot_general3A_35, %mul3A_36 : vector<256x64xf32>
    %swap3A = arith.constant 0 : index
    %swap3A_38 = arith.constant 0 : index
    %swap3A_39 = vector.load %arg6[%swap3A, %swap3A_38] : memref<256x64xf32, #tpu.memory_space<vmem>>, vector<256x64xf32>
    tpu.vector_store %arg6[%swap3A, %swap3A_38], %mul3A_37 {strides = array<i32>} : memref<256x64xf32, #tpu.memory_space<vmem>>, vector<256x64xf32>,
    %mul3A_40 = vector.broadcast %get3A_1 : vector<256x1xf32> to vector<256x64xf32>
    %mul3A_41 = arith.mulf %mul3A_37, %mul3A_40 : vector<256x64xf32>
    %swap3A_42 = arith.constant 0 : index
    %swap3A_43 = arith.constant 0 : index
    %swap3A_44 = vector.load %arg7[%swap3A_42, %swap3A_43] : memref<256x64xf32, #tpu.memory_space<vmem>>, vector<256x64xf32>
    tpu.vector_store %arg7[%swap3A_42, %swap3A_43], %mul3A_41 {strides = array<i32>} : memref<256x64xf32, #tpu.memory_space<vmem>>, vector<256x64xf32>,
    return
  }
  func.func @transform_0(%arg0: i32) -> (i32, i32, i32) {
    %c0_i32 = arith.constant 0 : i32
    %c0_i32_0 = arith.constant 0 : i32
    %c0_i32_1 = arith.constant 0 : i32
    return %c0_i32, %arg0, %c0_i32_0 : i32, i32, i32
  }
  func.func @transform_1(%arg0: i32) -> (i32, i32) {
    %c0_i32 = arith.constant 0 : i32
    %c0_i32_0 = arith.constant 0 : i32
    return %arg0, %c0_i32 : i32, i32
  }
  func.func @transform_2(%arg0: i32) -> (i32, i32) {
    %c0_i32 = arith.constant 0 : i32
    %c0_i32_0 = arith.constant 0 : i32
    return %arg0, %c0_i32 : i32, i32
  }
  func.func @transform_3(%arg0: i32) -> (i32, i32) {
    %c0_i32 = arith.constant 0 : i32
    %c0_i32_0 = arith.constant 0 : i32
    %c0_i32_1 = arith.constant 0 : i32
    return %c0_i32, %c0_i32_0 : i32, i32
  }
  func.func @transform_4(%arg0: i32) -> (i32, i32) {
    %c0_i32 = arith.constant 0 : i32
    %c0_i32_0 = arith.constant 0 : i32
    %c0_i32_1 = arith.constant 0 : i32
    return %c0_i32, %c0_i32_0 : i32, i32
  }
  func.func @transform_5(%arg0: i32) -> (i32, i32) {
    %c0_i32 = arith.constant 0 : i32
    %c0_i32_0 = arith.constant 0 : i32
    return %arg0, %c0_i32 : i32, i32
  }
  func.func @transform_6(%arg0: i32) -> (i32, i32) {
    %c0_i32 = arith.constant 0 : i32
    %c0_i32_0 = arith.constant 0 : i32
    return %arg0, %c0_i32 : i32, i32
  }
}

module attributes {stable_mosaic.version = 14 : i64} {
  func.func @body(%arg0: i32, %arg1: memref<2x256x64xf32, #tpu.memory_space<vmem>>, %arg2: memref<256x64xf32, #tpu.memory_space<vmem>>, %arg3: memref<256x1xf32, #tpu.memory_space<vmem>>, %arg4: memref<1x64xf32, #tpu.memory_space<vmem>>, %arg5: memref<256x64xf32, #tpu.memory_space<vmem>>) attributes {dimension_semantics = [#tpu.dimension_semantics<arbitrary>], iteration_bounds = array<i64: 40>, scalar_prefetch = 0 : i64, scratch_operands = 0 : i64, tpu.core_type = #tpu.core_type<tc>, window_params = [{transform_indices = @transform_0, window_bounds = array<i64: 2, 256, 64>}, {transform_indices = @transform_1, window_bounds = array<i64: 256, 64>}, {transform_indices = @transform_2, window_bounds = array<i64: 256, 1>}, {pipeline_mode = #tpu.pipeline_mode<synchronous>, transform_indices = @transform_3, window_bounds = array<i64: 1, 64>}, {transform_indices = @transform_4, window_bounds = array<i64: 256, 64>}]} {
    %get3A = arith.constant 0 : index
    %get3A_0 = arith.constant 0 : index
    %get3A_1 = arith.constant 0 : index
    %get3A_2 = vector.load %arg1[%get3A, %get3A_0, %get3A_1] : memref<2x256x64xf32, #tpu.memory_space<vmem>>, vector<1x256x64xf32>
    %get3A_3 = vector.shape_cast %get3A_2 : vector<1x256x64xf32> to vector<256x64xf32>
    %get3A_4 = arith.constant 1 : index
    %get3A_5 = arith.constant 0 : index
    %get3A_6 = arith.constant 0 : index
    %get3A_7 = vector.load %arg1[%get3A_4, %get3A_5, %get3A_6] : memref<2x256x64xf32, #tpu.memory_space<vmem>>, vector<1x256x64xf32>
    %get3A_8 = vector.shape_cast %get3A_7 : vector<1x256x64xf32> to vector<256x64xf32>
    %add3A = arith.addf %get3A_3, %get3A_8 : vector<256x64xf32>
    %get3A_9 = arith.constant 0 : index
    %get3A_10 = arith.constant 0 : index
    %get3A_11 = vector.load %arg3[%get3A_9, %get3A_10] : memref<256x1xf32, #tpu.memory_space<vmem>>, vector<256x1xf32>
    %mul3A = vector.broadcast %get3A_11 : vector<256x1xf32> to vector<256x64xf32>
    %mul3A_12 = arith.mulf %add3A, %mul3A : vector<256x64xf32>
    %get3A_13 = arith.constant 0 : index
    %get3A_14 = arith.constant 0 : index
    %get3A_15 = vector.load %arg2[%get3A_13, %get3A_14] : memref<256x64xf32, #tpu.memory_space<vmem>>, vector<256x64xf32>
    %add3A_16 = arith.addf %mul3A_12, %get3A_15 : vector<256x64xf32>
    %get3A_17 = arith.constant 0 : index
    %get3A_18 = arith.constant 0 : index
    %get3A_19 = vector.load %arg4[%get3A_17, %get3A_18] : memref<1x64xf32, #tpu.memory_space<vmem>>, vector<1x64xf32>
    %add3A_20 = vector.broadcast %get3A_19 : vector<1x64xf32> to vector<256x64xf32>
    %add3A_21 = arith.addf %add3A_16, %add3A_20 : vector<256x64xf32>
    %reduce_max3A = arith.constant dense<0xFF800000> : vector<256xf32>
    %reduce_max3A_22 = vector.multi_reduction <maximumf>, %add3A_21, %reduce_max3A [1] : vector<256x64xf32> to vector<256xf32>
    %broadcast_in_dim3A = vector.shape_cast %reduce_max3A_22 : vector<256xf32> to vector<256x1xf32>
    %sub3A = vector.broadcast %broadcast_in_dim3A : vector<256x1xf32> to vector<256x64xf32>
    %sub3A_23 = arith.subf %add3A_21, %sub3A : vector<256x64xf32>
    %exp3A = math.exp %sub3A_23 : vector<256x64xf32>
    %reduce_sum3A = arith.constant dense<0.000000e+00> : vector<256xf32>
    %reduce_sum3A_24 = vector.multi_reduction <add>, %exp3A, %reduce_sum3A [1] : vector<256x64xf32> to vector<256xf32>
    %broadcast_in_dim3A_25 = vector.shape_cast %reduce_sum3A_24 : vector<256xf32> to vector<256x1xf32>
    %log3A = math.log %broadcast_in_dim3A_25 : vector<256x1xf32>
    %sub3A_26 = vector.broadcast %log3A : vector<256x1xf32> to vector<256x64xf32>
    %sub3A_27 = arith.subf %sub3A_23, %sub3A_26 : vector<256x64xf32>
    %swap3A = arith.constant 0 : index
    %swap3A_28 = arith.constant 0 : index
    %swap3A_29 = vector.load %arg5[%swap3A, %swap3A_28] : memref<256x64xf32, #tpu.memory_space<vmem>>, vector<256x64xf32>
    tpu.vector_store %arg5[%swap3A, %swap3A_28], %sub3A_27 {strides = array<i32>} : memref<256x64xf32, #tpu.memory_space<vmem>>, vector<256x64xf32>,
    return
  }
  func.func @transform_0(%arg0: i32) -> (i32, i32, i32) {
    %c0_i32 = arith.constant 0 : i32
    %c0_i32_0 = arith.constant 0 : i32
    %c0_i32_1 = arith.constant 0 : i32
    return %c0_i32, %arg0, %c0_i32_0 : i32, i32, i32
  }
  func.func @transform_1(%arg0: i32) -> (i32, i32) {
    %c0_i32 = arith.constant 0 : i32
    %c0_i32_0 = arith.constant 0 : i32
    return %arg0, %c0_i32 : i32, i32
  }
  func.func @transform_2(%arg0: i32) -> (i32, i32) {
    %c0_i32 = arith.constant 0 : i32
    %c0_i32_0 = arith.constant 0 : i32
    return %arg0, %c0_i32 : i32, i32
  }
  func.func @transform_3(%arg0: i32) -> (i32, i32) {
    %c0_i32 = arith.constant 0 : i32
    %c0_i32_0 = arith.constant 0 : i32
    %c0_i32_1 = arith.constant 0 : i32
    return %c0_i32, %c0_i32_0 : i32, i32
  }
  func.func @transform_4(%arg0: i32) -> (i32, i32) {
    %c0_i32 = arith.constant 0 : i32
    %c0_i32_0 = arith.constant 0 : i32
    return %arg0, %c0_i32 : i32, i32
  }
}

</mosaic_0001>

<sc_bundles>
// kernel: kernel.12.cloned.1.call-start
scs
__scs_entry_jumppad:
0x0: {  	(pc) =	sbr.rel $0x88, $3  }
0x1: {  	(tag) =	ssettag $0x0;
	lr =	simm.s32 $0x1  }
0x2: {  	[smem:$0x3F9B] =	sst lr;
	_ =	strace $0xD0000000  }
0x3: {  	_ = 	snop  }
0x4: {  	_ = 	snop  }
0x5: {  	_ = 	snop  }
0x6: {  	_ = 	snop  }
0x7: {  	_ = 	snop  }
__scs_overlays_trampoline_lowered:
0x8: {  	[smem:$0x3FAA] =	sst s0  }
0x9: {  	[smem:$0x3FAB] =	sst s1  }
0xa: {  	[smem:$0x3FAC] =	sst s2  }
0xb: {  	[smem:$0x3FAD] =	sst s3  }
0xc: {  	[smem:$0x3FAE] =	sst s4  }
0xd: {  	[smem:$0x3FAF] =	sst s5  }
0xe: {  	[smem:$0x3FB0] =	sst s6  }
0xf: {  	[smem:$0x3FB1] =	sst s7  }
0x10: {  	[smem:$0x3FB2] =	sst s8  }
0x11: {  	[smem:$0x3FB3] =	sst s9;
	s0 =	simm.s32 @!p0 $0x0  }
0x12: {  	s1 =	sld [smem:$0x3F99];
	s0 =	simm.s32 @p0 $0x1  }
0x13: {  	[smem:$0x3FB4] =	sst s0;
	s0 =	simm.s32 @!p1 $0x0  }
0x14: {  	s2 =	sld [smem:$0x3F98];
	s0 =	simm.s32 @p1 $0x1  }
0x15: {  	[smem:$0x3FB5] =	sst s0;
	s0 =	simm.s32 @!p2 $0x0  }
0x16: {  	s3 =	sld [smem:$0x3FDB];
	s0 =	simm.s32 @p2 $0x1  }
0x17: {  	s4 =	simm.s32 $0x1BF5;
	[smem:$0x3FB7] =	sst s0  }
0x18: {  	s0 =	sld [smem:$0x3F9A];
	_ =	swait.ge [sflag:s4], $0x0  }
0x19: {  	s7 =	sld [smem:$0x3F9B]  }
0x1a: {  	s8 =	sadd.s32 $0xFFFFE003, lr  }
0x1b: {  	s9 =	sadd.s32 $0xFFFFFEF7, lr;
	s5 =	simm.s32 $0xFFFFFFFF;
	p2 =	slt.u32 s8, $0xFFFFF086  }
0x1c: {  	p1 =	slt.u32 s9, $0xF7A;
	s5 =	simm.s32 @!p2 $0x0  }
0x1d: {  	s5 =	simm.s32 @p1 $0x1;
	p0 =	seq.s32 s7, s2  }
0x1e: {  	s7 =	smul.u32 @!p0 $0xF7A, s2;
	p2 =	seq.s32 @!p0 s5, $0x0  }
0x1f: {  	s9 =	smul.u32 $0xF7A, s1;
	s8 =	simm.s32 @!p0 $0x1BF5;
	p2 =	por !p2, p0  }
0x20: {  	[sflag:s8] =	ssyncset.s32 @!p0 $0xFFFFF086;
	s6 =	sadd.s32 @!p0 s3, s7;
	s7 =	simm.s32 @!p0 $0x108  }
0x21: {  	s3 =	sadd.s32 s3, s9;
	s6 =	sadd.s32 @!p0 $0x88, s6;
	s7 =	simm.s32 @p2 $0x1082  }
0x22: {  	[simem:s7], [sflag:s8] =	dma.local @!p0 [hbm:s6], $0xF7A  }
0x23: {  	s9 =	sor.u32 $0xD0000000, s2;
	s6 =	simm.s32 $0x108;
	_ =	swait.ge @!p0 [sflag:s8], $0x0  }
0x24: {  	s3 =	sadd.s32 $0x88, s3;
	s6 =	simm.s32 @!p1 $0x1082;
	[sflag:s4] =	ssyncset.s32 $0xFFFFF086  }
0x25: {  	[simem:s6], [sflag:s4] =	dma.local [hbm:s3], $0xF7A  }
0x26: {  	[smem:$0x3F9B] =	sst s1;
	(tag) =	ssettag s2;
	_ =	strace s9  }
0x27: {  	s1 =	sld [smem:$0x3FAB]  }
0x28: {  	s2 =	sld [smem:$0x3FAC]  }
0x29: {  	s4 =	sld [smem:$0x3FAE]  }
0x2a: {  	p0 =	seq.s32 s5, $0x0;
	s5 =	sld [smem:$0x3FAF]  }
0x2b: {  	s6 =	sld [smem:$0x3FB0]  }
0x2c: {  	s7 =	sld [smem:$0x3FB1]  }
0x2d: {  	s3 =	simm.s32 $0x108;
	s8 =	sld [smem:$0x3FB2]  }
0x2e: {  	s3 =	simm.s32 @!p0 $0x1082;
	s9 =	sld [smem:$0x3FB3]  }
0x2f: {  	lr =	sadd.s32 s0, s3;
	s0 =	sld [smem:$0x3FAA]  }
0x30: {  	s3 =	sld [smem:$0x3FAD]  }
0x31: {  	[smem:$0x3FB6] =	sst s10  }
0x32: {  	s10 =	sld [smem:$0x3FB4];
	_ =	sdelay $0x3  }
0x33: {  	p0 =	seq.s32 s10, $0x1;
	s10 =	sld [smem:$0x3FB6];
	_ =	sdelay $0x3  }
0x34: {  	[smem:$0x3FB6] =	sst s10  }
0x35: {  	s10 =	sld [smem:$0x3FB5];
	_ =	sdelay $0x3  }
0x36: {  	p1 =	seq.s32 s10, $0x1;
	s10 =	sld [smem:$0x3FB6];
	_ =	sdelay $0x3  }
0x37: {  	[smem:$0x3FB6] =	sst s10  }
0x38: {  	s10 =	sld [smem:$0x3FB7]  }
0x39: {  	_ = 	snop;
	(pc) =	sbr.ind lr, $3  }
0x3a: {  	_ = 	snop  }
0x3b: {  	_ = 	snop  }
0x3c: {  	p2 =	seq.s32 s10, $0x1;
	s10 =	sld [smem:$0x3FB6]  }
0x3d: {  	_ =	shalt  }
0x3e: {  	_ =	shalt  }
0x3f: {  	_ =	shalt  }
0x40: {  	_ =	shalt  }
0x41: {  	_ =	shalt  }
0x42: {  	_ =	shalt  }
0x43: {  	_ =	shalt  }
0x44: {  	_ =	shalt  }
0x45: {  	_ =	shalt  }
0x46: {  	_ =	shalt  }
0x47: {  	_ =	shalt  }
0x48: {  	_ =	shalt  }
0x49: {  	_ =	shalt  }
0x4a: {  	_ =	shalt  }
0x4b: {  	_ =	shalt  }
0x4c: {  	_ =	shalt  }
0x4d: {  	_ =	shalt  }
0x4e: {  	_ =	shalt  }
0x4f: {  	_ =	shalt  }
0x50: {  	_ =	shalt  }
0x51: {  	_ =	shalt  }
0x52: {  	_ =	shalt  }
0x53: {  	_ =	shalt  }
0x54: {  	_ =	shalt  }
0x55: {  	_ =	shalt  }
0x56: {  	_ =	shalt  }
0x57: {  	_ =	shalt  }
0x58: {  	_ =	shalt  }
0x59: {  	_ =	shalt  }
0x5a: {  	_ =	shalt  }
0x5b: {  	_ =	shalt  }
0x5c: {  	_ =	shalt  }
0x5d: {  	_ =	shalt  }
0x5e: {  	_ =	shalt  }
0x5f: {  	_ =	shalt  }
0x60: {  	_ =	shalt  }
0x61: {  	_ =	shalt  }
0x62: {  	_ =	shalt  }
0x63: {  	_ =	shalt  }
0x64: {  	_ =	shalt  }
0x65: {  	_ =	shalt  }
0x66: {  	_ =	shalt  }
0x67: {  	_ =	shalt  }
0x68: {  	_ =	shalt  }
0x69: {  	_ =	shalt  }
0x6a: {  	_ =	shalt  }
0x6b: {  	_ =	shalt  }
0x6c: {  	_ =	shalt  }
0x6d: {  	_ =	shalt  }
0x6e: {  	_ =	shalt  }
0x6f: {  	_ =	shalt  }
0x70: {  	_ =	shalt  }
0x71: {  	_ =	shalt  }
0x72: {  	_ =	shalt  }
0x73: {  	_ =	shalt  }
0x74: {  	_ =	shalt  }
0x75: {  	_ =	shalt  }
0x76: {  	_ =	shalt  }
0x77: {  	_ =	shalt  }
0x78: {  	_ =	shalt  }
0x79: {  	_ =	shalt  }
0x7a: {  	_ =	shalt  }
0x7b: {  	_ =	shalt  }
0x7c: {  	_ =	shalt  }
0x7d: {  	_ =	shalt  }
0x7e: {  	_ =	shalt  }
0x7f: {  	_ =	shalt  }
0x80: {  	_ =	shalt  }
0x81: {  	_ =	shalt  }
0x82: {  	_ =	shalt  }
0x83: {  	_ =	shalt  }
0x84: {  	_ =	shalt  }
0x85: {  	_ =	shalt  }
0x86: {  	_ =	shalt  }
0x87: {  	_ =	shalt  }
.Lfunc_end0:
.L_simem_size_0:
called_computation.1_lowered:
.L_overlay_start_0:
0x88: {  	s2 =	sld [smem:$0x3FD9]  }
0x89: {  	s3 =	sld [smem:$0x3FFE];
	_ =	sdelay $0x1  }
0x8a: {  	s1 =	srdreg.scid  }
0x8b: {  	s0 =	sand.u32 $0x1, s1  }
0x8c: {  	s16 =	sshll.u32 s0, $0xA;
	s2 =	sadd.s32 s3, s2  }
0x8d: {  	s2 =	sadd.s32 s2, s16  }
0x8e: {  	[smem:$0x3FC2] =	sst s2  }
0x8f: {  	_ = 	snop  }
0x90: {  	(tm) =	ssettm $0x1  }
0x91: {  	s17 =	sld [smem:$0x3FFB];
	_ =	sdelay $0x3  }
0x92: {  	_ =	strace s17  }
0x93: {  	s2 =	sld [smem:$0x3FFC];
	_ =	sdelay $0x3  }
0x94: {  	_ =	strace s2  }
0x95: {  	s2 =	sld [smem:$0x3FFD];
	_ =	sdelay $0x3  }
0x96: {  	_ =	strace s2  }
0x97: {  	_ =	strace $0x8FFFFFFF  }
0x98: {  	s18 =	sld [smem:$0x3FDB];
	_ =	sdelay $0x1  }
0x99: {  	s19 =	simm.s32 $_scs_section_size  }
0x9a: {  	s4 =	simm.s32 $_size__tile_overlayer_lowered;
	s5 =	simm.s32 $_tile_overlayer_lowered  }
0x9b: {  	s22 =	simm.s32 $0x1BFF;
	s21 =	sshll.u32 s5, $0x1;
	s2 =	sadd.s32 s19, s18  }
0x9c: {  	s6 =	simm.s32 $0x0;
	s20 =	sshll.u32 s4, $0x1;
	s4 =	sadd.s32 s21, s2  }
0x9d: {  	[timem:s6], [sflag:s22] =	dma.local [hbm:s4], s20  }
0x9e: {  	_ =	swait.ge [sflag:s22], s20  }
0x9f: {  	s3 =	ssub.s32 $0x0, s20;
	[sflag:s22] =	ssyncset.done $0x0  }
0xa0: {  	[sflag:s22] =	ssyncadd.s32 s3;
	_ =	sdelay $0x1  }
0xa1: {  	s23 =	simm.s32 $0x1B8B  }
0xa2: {  	_ =	swait.ge [sflag:s23], $0x1  }
0xa3: {  	[sflag:s23] =	ssyncset.done $0x0  }
0xa4: {  	s25 =	simm.s32 $0x1B8E;
	s24 =	sld [smem:$0x3FFE];
	[sflag:s23] =	ssyncadd.s32 $0xFFFFFFFF  }
0xa5: {  	s26 =	simm.s32 $execute0_lowered;
	[smem:$0x3FD2] =	sst s25  }
0xa6: {  	s4 =	sshll.u32 s26, $0x1;
	_ =	strace $0x80000049;
	[dreg:$0x1] =	wrdreg $0xFFFFFFFF  }
0xa7: {  	s28 =	simm.s32 $_size_execute0_lowered;
	s2 =	sadd.s32 s2, s4;
	[dreg:$0x0] =	wrdreg $0x0  }
0xa8: {  	s4 =	sshll.u32 s28, $0x1;
	[dreg:$0x2] =	wrdreg s2  }
0xa9: {  	[dreg:$0x3] =	wrdreg s4  }
0xaa: {  	[dreg:$0x4] =	wrdreg $0xC0  }
0xab: {  	_ =	task [dreg:s6], $0x5FFFF  }
0xac: {  	[dreg:$0x1] =	wrdreg $0xFFFFFFFF  }
0xad: {  	[dreg:$0x0] =	wrdreg $0x60  }
0xae: {  	[dreg:$0x2] =	wrdreg s24  }
0xaf: {  	[dreg:$0x3] =	wrdreg $0xB0800  }
0xb0: {  	[dreg:$0x4] =	wrdreg $0x9  }
0xb1: {  	_ =	task.clear_ibuf [dreg:s6], $0x5FFFF;
	_ =	strace $0x90000049  }
0xb2: {  	s29 =	simm.s32 $0x9;
	_ =	strace $0x8000004B  }
0xb3: {  	_ =	swait.ge [sflag:s29], $0x1  }
0xb4: {  	[sflag:s29] =	ssyncadd.s32 $0xFFFFFFFF  }
0xb5: {  	_ =	strace $0x9000004B  }
0xb6: {  	_ =	sfence  }
0xb7: {  	s30 =	sld [smem:$0x0];
	_ =	sdelay $0x2  }
0xb8: {  	s31 =	sshll.u32 s1, $0xD;
	s1 =	sshrl.u32 s1, $0x2  }
0xb9: {  	s3 =	sand.u32 $0x4000, s31;
	s1 =	sadd.s32 s1, s30  }
0xba: {  	s0 =	sor.u32 s3, s0;
	s1 =	sshll.u32 s1, $0x11  }
0xbb: {  	s0 =	sor.u32 s1, s0  }
0xbc: {  	s0 =	sadd.s32 $0x8F2B, s0  }
0xbd: {  	[sflag:s0] =	ssyncadd.remote.s32 $0x1  }
0xbe: {  	_ =	sfence.sel $0xFFFF  }
0xbf: {  	[dreg:$0x0] =	wrdreg $0xFFFFFFFF;
	(pc) =	sbr.abs _section_cstart, $3  }
0xc0: {  	[dreg:$0x1] =	wrdreg $0xFFFFFFFF  }
0xc1: {  	_ =	task.clear_ibuf [dreg:s6], $0x2FFFF;
	_ =	strace $0x9FFFFFFF  }
0xc2: {  	(tm) =	ssettm $0x7FFFFFFF  }
0xc3: {  	_ =	shalt  }
tec
execute0_lowered:
.L_overlay_start_1:
0x0: {  	(tag) =	ssettag $0x1  }
0x1: {  	s7 =	rddreg [dreg:$0x0]  }
0x2: {  	s0 =	srdreg.scid;
	s2 =	rddreg [dreg:$0x1]  }
0x3: {  	s3 =	simm.s32 $0x0;
	s16 =	simm.s32 $0x2780;
	s17 =	simm.s32 $0x80  }
0x4: {  	s18 =	simm.s32 $0x2880;
	s19 =	simm.s32 $0x2800;
	s6 =	sand.u32 $0x1, s0  }
0x5: {  	s20 =	simm.s32 $0x6880;
	s0 =	stileid.u32;
	s8 =	smul.u32 $0x140000, s6  }
0x6: {  	s21 =	simm.s32 $0x3;
	s22 =	simm.s32 $0x2;
	s10 =	smul.u32 $0x14000, s0  }
0x7: {  	s24 =	simm.s32 $0x0;
	[smem:$0x7FF] =	sst s3;
	s12 =	smul.u32 $0x50000, s0  }
0x8: {  	s5 =	sadd.s32 $0x1E00, s7;
	s1 =	sshll.u32 s6, $0x4;
	s13 =	smul.u32 $0x27800, s6  }
0x9: {  	s6 =	ssub.s32 $0x2, s6;
	s14 =	smul.u32 $0x2780, s0;
	s4 =	sor.u32 s0, s1  }
0xa: {  	s1 =	rddreg [dreg:$0x2];
	_ =	strace $0x8000004A;
	s26 =	sshrl.u32 s6, $0x1  }
0xb: {  	s4 =	smul.u32 $0x2780, s4;
	s8 =	sadd.s32 s10, s8;
	s28 =	sshrl.u32 s12, $0x2  }
0xc: {  	s29 =	ssub.s32 s6, s26;
	s13 =	sadd.s32 s14, s13;
	s23 =	sadd.s32 s10, s2  }
0xd: {  	s14 =	simm.s32 $0x4;
	s8 =	sshrl.u32 s8, $0x3;
	s6 =	sadd.s32 s28, s2  }
0xe: {  	s30 =	sadd.s32 $0x80, s13;
	s10 =	smax.u32 s29, $0x1;
	s23 =	sshrl.u32 s23, $0x3  }
0xf: {  	s9 =	sshrl.u32 s4, $0x3;
	s4 =	sadd.s32 $0x15A00, s7;
	s15 =	sadd.s32 s8, s7  }
0x10: {  	s31 =	sshrl.u32 s30, $0x3;
	s11 =	sadd.s32 s9, s7;
	s8 =	sadd.s32 s5, s9  }
0x11: {  	s9 =	sadd.s32 $0x65A00, s15;
	s12 =	sadd.s32 s31, s5;
	s15 =	simm.s32 $0x1  }
0x12: {  	v0 =	vimm.f32 $0.0e+00;
	s7 =	sadd.s32 $0xBC00, s11;
	s11 =	sadd.s32 $0x100, s13;
	s13 =	simm.s32 $0xA880  }
.LBB2_1:
0x13: {  	s25 =	simm.s32 $0x0;
	s26 =	simm.s32 $0x200  }
.LBB2_2:
0x14: {  	p0 =	sne.s32 s26, $0x1E00;
	[tilespmem:s25+$0xA8F0] =	vst v0  }
0x15: {  	[tilespmem:s25+$0xA880] =	vst v0  }
0x16: {  	[tilespmem:s25+$0xA890] =	vst v0  }
.Ltmp0:
0x17: {  	[tilespmem:s25+$0xA8A0] =	vst v0;
	(pc) =	sbr.rel @p0 .LBB2_2-.Ltmp0, $4  }
0x18: {  	[tilespmem:s25+$0xA8B0] =	vst v0  }
0x19: {  	[tilespmem:s25+$0xA8C0] =	vst v0  }
0x1a: {  	[tilespmem:s25+$0xA8D0] =	vst v0  }
0x1b: {  	[tilespmem:s25+$0xA8E0] =	vst v0;
	s25 =	sshra.s32 s26, $0x2;
	s26 =	sadd.s32 $0x200, s26  }
0x1c: {  	[tilespmem:s25+$0xA8F0] =	vst v0  }
0x1d: {  	[tilespmem:s25+$0xA880] =	vst v0  }
0x1e: {  	[tilespmem:s25+$0xA890] =	vst v0  }
0x1f: {  	[tilespmem:s25+$0xA8A0] =	vst v0  }
0x20: {  	[tilespmem:s25+$0xA8B0] =	vst v0  }
0x21: {  	[tilespmem:s25+$0xA8C0] =	vst v0  }
0x22: {  	[tilespmem:s25+$0xA8D0] =	vst v0  }
0x23: {  	[tilespmem:s25+$0xA8E0] =	vst v0;
	s31 =	sadd.s32 $0x0, s6  }
0x24: {  	[spmem:s31] =	stream.linear.scatter [tilespmem:s13], [sflag:$0x4], $0x800, $0x38;
	[tilespmem:$0x1F080] =	vst v63  }
0x25: {  	s25 =	simm.s32 $0x2000;
	_ =	swait.ge [sflag:s14], $0x800  }
.LBB2_4:
0x26: {  	s26 =	sshra.s32 s25, $0x2;
	[sflag:s14] =	ssyncset.done $0x0;
	p0 =	sne.s32 s25, $0x4E000  }
.Ltmp1:
0x27: {  	s26 =	sadd.s32 s26, s6;
	[sflag:s14] =	ssyncadd.s32 $0xFFFFF800;
	(pc) =	sbr.rel @p0 .LBB2_4-.Ltmp1, $3  }
0x28: {  	[spmem:s26] =	stream.linear.scatter [tilespmem:s13], [sflag:$0x4], $0x800, $0x38;
	[tilespmem:$0x1F080] =	vst v63  }
0x29: {  	s25 =	sadd.s32 $0x2000, s25;
	_ =	sdelay $0x1  }
0x2a: {  	_ =	swait.ge [sflag:s14], $0x800  }
0x2b: {  	[sflag:s14] =	ssyncset.done $0x0  }
0x2c: {  	s25 =	simm.s32 $0x0;
	[sflag:s14] =	ssyncadd.s32 $0xFFFFF800  }
0x2d: {  	[tilespmem:s25], [sflag:$0x1] =	stream.linear.gather [hbm4b:s7+s25], $0x2780, $0x38;
	[tilespmem:$0x1F080] =	vst v63  }
0x2e: {  	_ =	swait.ge [sflag:s15], $0x2780  }
0x2f: {  	[sflag:s15] =	ssyncset.done $0x0  }
0x30: {  	[sflag:s15] =	ssyncadd.s32 $0xFFFFD880  }
0x31: {  	[bflag:$0x0] =	sbarrier.arrive $0xFFFF  }
0x32: {  	[tilespmem:s16], [sflag:$0x4] =	stream.linear.gather [hbm4b:s8+s25], $0x80, $0x38;
	[tilespmem:$0x1F080] =	vst v63  }
0x33: {  	_ =	swait.ge [sflag:s14], $0x80  }
0x34: {  	[sflag:s14] =	ssyncset.done $0x0  }
0x35: {  	[sflag:s14] =	ssyncadd.s32 $0xFFFFFF80  }
0x36: {  	[tilespmem:s18], [sflag:$0x1] =	stream.indirect.gather [hbm4b:s4+s17], $0x80, s25, s17, $0xb8;
	[tilespmem:$0x1F080] =	vst v63  }
0x37: {  	s31 =	sadd.s32 $0x0, s12  }
0x38: {  	[tilespmem:s19], [sflag:$0x3] =	stream.linear.gather [hbm4b:s31+s3], $0x80, $0x38;
	[tilespmem:$0x1F080] =	vst v63  }
0x39: {  	_ =	swait.ge [sflag:s15], $0x4000  }
0x3a: {  	[sflag:s15] =	ssyncset.done $0x0  }
0x3b: {  	s26 =	simm.s32 $0x80;
	[sflag:s15] =	ssyncadd.s32 $0xFFFFC000  }
0x3c: {  	[tilespmem:s20], [sflag:$0x2] =	stream.indirect.gather [hbm4b:s4+s17], $0x80, s26, s17, $0xb8;
	[tilespmem:$0x1F080] =	vst v63  }
0x3d: {  	_ = 	snop  }
0x3e: {  	[spmem:s2] =	stream.indirect.scatter.add.f32 [tilespmem:s18], [sflag:$0x4], $0x80, s16, s17, $0xb8;
	[tilespmem:$0x1F080] =	vst v63  }
0x3f: {  	_ =	swait.ge [sflag:s14], $0x4000  }
0x40: {  	[sflag:s14] =	ssyncset.done $0x0  }
0x41: {  	[sflag:s14] =	ssyncadd.s32 $0xFFFFC000  }
0x42: {  	_ =	swait.ge [sflag:s21], $0x80  }
0x43: {  	s30 =	sshrl.u32 s11, $0x3;
	[sflag:s21] =	ssyncset.done $0x0  }
0x44: {  	s25 =	sadd.s32 s5, s30;
	[sflag:s21] =	ssyncadd.s32 $0xFFFFFF80  }
0x45: {  	[tilespmem:s16], [sflag:$0x3] =	stream.linear.gather [hbm4b:s25+s3], $0x80, $0x38;
	[tilespmem:$0x1F080] =	vst v63  }
0x46: {  	_ =	swait.ge [sflag:s22], $0x4000  }
0x47: {  	[sflag:s22] =	ssyncset.done $0x0  }
0x48: {  	s31 =	simm.s32 $0x100;
	[sflag:s22] =	ssyncadd.s32 $0xFFFFC000  }
0x49: {  	[tilespmem:s18], [sflag:$0x1] =	stream.indirect.gather [hbm4b:s4+s17], $0x80, s31, s17, $0xb8;
	[tilespmem:$0x1F080] =	vst v63  }
0x4a: {  	_ = 	snop  }
0x4b: {  	[spmem:s2] =	stream.indirect.scatter.add.f32 [tilespmem:s20], [sflag:$0x4], $0x80, s19, s17, $0xb8;
	[tilespmem:$0x1F080] =	vst v63  }
0x4c: {  	_ =	swait.ge [sflag:s14], $0x4000  }
0x4d: {  	[sflag:s14] =	ssyncset.done $0x0  }
0x4e: {  	[sflag:s14] =	ssyncadd.s32 $0xFFFFC000  }
0x4f: {  	s28 =	simm.s32 $0x20;
	s29 =	simm.s32 $0x40;
	_ =	swait.ge [sflag:s21], $0x80  }
0x50: {  	s26 =	sadd.s32 $0x100, s11;
	s25 =	simm.s32 $0x200;
	[sflag:s21] =	ssyncset.done $0x0  }
.LBB2_6:
0x51: {  	s30 =	sadd.s32 s28, s12  }
0x52: {  	[sflag:s21] =	ssyncadd.s32 $0xFFFFFF80;
	s28 =	smov.u32 s29;
	s31 =	sadd.s32 $0x20, s29  }
0x53: {  	[tilespmem:s19], [sflag:$0x3] =	stream.linear.gather [hbm4b:s30+s3], $0x80, $0x38;
	[tilespmem:$0x1F080] =	vst v63  }
0x54: {  	p0 =	sne.s32 s29, $0x4C0;
	_ =	swait.ge [sflag:s15], $0x4000  }
0x55: {  	[sflag:s15] =	ssyncset.done $0x0  }
0x56: {  	s29 =	sadd.s32 $0xFFFFFF80, s25;
	[sflag:s15] =	ssyncadd.s32 $0xFFFFC000  }
0x57: {  	[tilespmem:s20], [sflag:$0x2] =	stream.indirect.gather [hbm4b:s4+s17], $0x80, s29, s17, $0xb8;
	[tilespmem:$0x1F080] =	vst v63  }
0x58: {  	_ = 	snop  }
0x59: {  	[spmem:s2] =	stream.indirect.scatter.add.f32 [tilespmem:s18], [sflag:$0x4], $0x80, s16, s17, $0xb8;
	[tilespmem:$0x1F080] =	vst v63  }
0x5a: {  	_ =	swait.ge [sflag:s14], $0x4000  }
0x5b: {  	[sflag:s14] =	ssyncset.done $0x0  }
0x5c: {  	[sflag:s14] =	ssyncadd.s32 $0xFFFFC000  }
0x5d: {  	_ =	swait.ge [sflag:s21], $0x80  }
0x5e: {  	s29 =	sshrl.u32 s26, $0x3;
	[sflag:s21] =	ssyncset.done $0x0  }
0x5f: {  	s29 =	sadd.s32 s5, s29;
	[sflag:s21] =	ssyncadd.s32 $0xFFFFFF80  }
0x60: {  	[tilespmem:s16], [sflag:$0x3] =	stream.linear.gather [hbm4b:s29+s3], $0x80, $0x38;
	[tilespmem:$0x1F080] =	vst v63  }
0x61: {  	_ =	swait.ge [sflag:s22], $0x4000  }
0x62: {  	[sflag:s22] =	ssyncset.done $0x0  }
0x63: {  	[sflag:s22] =	ssyncadd.s32 $0xFFFFC000  }
0x64: {  	[tilespmem:s18], [sflag:$0x1] =	stream.indirect.gather [hbm4b:s4+s17], $0x80, s25, s17, $0xb8;
	[tilespmem:$0x1F080] =	vst v63  }
0x65: {  	_ = 	snop  }
0x66: {  	[spmem:s2] =	stream.indirect.scatter.add.f32 [tilespmem:s20], [sflag:$0x4], $0x80, s19, s17, $0xb8;
	[tilespmem:$0x1F080] =	vst v63  }
.Ltmp2:
0x67: {  	_ =	swait.ge [sflag:s14], $0x4000;
	(pc) =	sbr.rel @p0 .LBB2_6-.Ltmp2, $4  }
0x68: {  	[sflag:s14] =	ssyncset.done $0x0  }
0x69: {  	[sflag:s14] =	ssyncadd.s32 $0xFFFFC000  }
0x6a: {  	s26 =	sadd.s32 $0x100, s26;
	_ =	swait.ge [sflag:s21], $0x80  }
0x6b: {  	s29 =	smov.u32 s31;
	s25 =	sadd.s32 $0x100, s25;
	[sflag:s21] =	ssyncset.done $0x0  }
0x6c: {  	s28 =	sadd.s32 s28, s12;
	[sflag:s21] =	ssyncadd.s32 $0xFFFFFF80  }
0x6d: {  	[tilespmem:s19], [sflag:$0x3] =	stream.linear.gather [hbm4b:s28+s3], $0x80, $0x38;
	[tilespmem:$0x1F080] =	vst v63  }
0x6e: {  	_ =	swait.ge [sflag:s15], $0x4000  }
0x6f: {  	[sflag:s15] =	ssyncset.done $0x0  }
0x70: {  	s30 =	sadd.s32 $0xFFFFFF80, s25;
	[sflag:s15] =	ssyncadd.s32 $0xFFFFC000  }
0x71: {  	[tilespmem:s20], [sflag:$0x2] =	stream.indirect.gather [hbm4b:s4+s17], $0x80, s30, s17, $0xb8;
	[tilespmem:$0x1F080] =	vst v63  }
0x72: {  	_ = 	snop  }
0x73: {  	[spmem:s2] =	stream.indirect.scatter.add.f32 [tilespmem:s18], [sflag:$0x4], $0x80, s16, s17, $0xb8;
	[tilespmem:$0x1F080] =	vst v63  }
0x74: {  	_ =	swait.ge [sflag:s14], $0x4000  }
0x75: {  	[sflag:s14] =	ssyncset.done $0x0  }
0x76: {  	[sflag:s14] =	ssyncadd.s32 $0xFFFFC000  }
0x77: {  	_ =	swait.ge [sflag:s21], $0x80  }
0x78: {  	s26 =	sshrl.u32 s26, $0x3;
	[sflag:s21] =	ssyncset.done $0x0  }
0x79: {  	s26 =	sadd.s32 s5, s26;
	[sflag:s21] =	ssyncadd.s32 $0xFFFFFF80  }
0x7a: {  	[tilespmem:s16], [sflag:$0x3] =	stream.linear.gather [hbm4b:s26+s3], $0x80, $0x38;
	[tilespmem:$0x1F080] =	vst v63  }
0x7b: {  	_ =	swait.ge [sflag:s22], $0x4000  }
0x7c: {  	[sflag:s22] =	ssyncset.done $0x0  }
0x7d: {  	[sflag:s22] =	ssyncadd.s32 $0xFFFFC000  }
0x7e: {  	[tilespmem:s18], [sflag:$0x1] =	stream.indirect.gather [hbm4b:s4+s17], $0x80, s25, s17, $0xb8;
	[tilespmem:$0x1F080] =	vst v63  }
0x7f: {  	_ = 	snop  }
0x80: {  	[spmem:s2] =	stream.indirect.scatter.add.f32 [tilespmem:s20], [sflag:$0x4], $0x80, s19, s17, $0xb8;
	[tilespmem:$0x1F080] =	vst v63  }
0x81: {  	_ =	swait.ge [sflag:s14], $0x4000  }
0x82: {  	[sflag:s14] =	ssyncset.done $0x0  }
0x83: {  	[sflag:s14] =	ssyncadd.s32 $0xFFFFC000  }
0x84: {  	_ =	swait.ge [sflag:s21], $0x80  }
0x85: {  	[sflag:s21] =	ssyncset.done $0x0  }
0x86: {  	[sflag:s21] =	ssyncadd.s32 $0xFFFFFF80  }
0x87: {  	_ =	swait.ge [sflag:s15], $0x4000  }
0x88: {  	[sflag:s15] =	ssyncset.done $0x0  }
0x89: {  	[sflag:s15] =	ssyncadd.s32 $0xFFFFC000  }
0x8a: {  	[spmem:s2] =	stream.indirect.scatter.add.f32 [tilespmem:s18], [sflag:$0x4], $0x80, s16, s17, $0xb8;
	[tilespmem:$0x1F080] =	vst v63  }
0x8b: {  	_ =	swait.ge [sflag:s14], $0x4000  }
0x8c: {  	s24 =	sadd.s32 $0x1, s24;
	[sflag:s14] =	ssyncset.done $0x0  }
0x8d: {  	s31 =	sshll.u32 s0, $0x6;
	p0 =	sne.s32 s24, s10;
	[sflag:s14] =	ssyncadd.s32 $0xFFFFC000  }
.Ltmp3:
0x8e: {  	s25 =	sor.u32 $0x1C04, s31;
	[bflag:$0x0] =	sbarrier.arrive $0xFFFF;
	(pc) =	sbr.rel @p0 .LBB2_1-.Ltmp3, $4  }
0x8f: {  	[hbm:s9], [sflag:s25] =	dma.local [spmem:s23], $0x2800  }
0x90: {  	_ =	swait.ge [sflag:s14], $0x2800  }
0x91: {  	[sflag:s14] =	ssyncset.done $0x0  }
0x92: {  	[sflag:s14] =	ssyncadd.s32 $0xFFFFD800  }
0x93: {  	_ =	sfence.sel $0x180000  }
0x94: {  	[bflag:$0x0] =	sbarrier.arrive $0xFFFF  }
0x95: {  	p0 =	sne.s32 s0, $0x0;
	_ =	strace $0x9000004A  }
0x96: {  	s0 =	sadd.s32 @!p0 $0x100000, s1;
	[bflag:$0x2] =	sbarrier.arrive $0xFFFF  }
0x97: {  	[sflag:s0] =	ssyncadd.tile.s32 @!p0 $0x1;
	_ =	shalt  }
.Lfunc_end2:
_tile_overlayer_lowered:
.L_overlay_start_2:
0x98: {  	(tag) =	ssettag $0x2  }
0x99: {  	s0 =	rddreg [dreg:$0x0];
	s2 =	stileid.u32  }
0x9a: {  	s1 =	rddreg [dreg:$0x1];
	p0 =	sne.s32 s2, $0x0  }
0x9b: {  	s3 =	rddreg [dreg:$0x2];
	[bflag:$0x3] =	sbarrier.arrive $0xFFFF;
	s2 =	simm.s32 @!p0 $0x1C04  }
0x9c: {  	[timem:s3], [sflag:s2] =	dma.local @!p0 [hbm:s0], s1  }
0x9d: {  	s0 =	simm.s32 @!p0 $0x4  }
0x9e: {  	_ =	swait.ge @!p0 [sflag:s0], s1  }
0x9f: {  	s1 =	ssub.s32 @!p0 $0x0, s1;
	[sflag:s0] =	ssyncset.done @!p0 $0x0  }
0xa0: {  	[sflag:s0] =	ssyncadd.s32 @!p0 s1  }
0xa1: {  	[bflag:$0x3] =	sbarrier.arrive $0xFFFF  }
0xa2: {  	_ =	shalt  }

// kernel: kernel.15.cloned.1.call-start
scs
__scs_entry_jumppad:
0x0: {  	(pc) =	sbr.rel $0x88, $3  }
0x1: {  	(tag) =	ssettag $0x0;
	lr =	simm.s32 $0x1  }
0x2: {  	[smem:$0x3F9B] =	sst lr;
	_ =	strace $0xD0000000  }
0x3: {  	_ = 	snop  }
0x4: {  	_ = 	snop  }
0x5: {  	_ = 	snop  }
0x6: {  	_ = 	snop  }
0x7: {  	_ = 	snop  }
__scs_overlays_trampoline_lowered:
0x8: {  	[smem:$0x3FAA] =	sst s0  }
0x9: {  	[smem:$0x3FAB] =	sst s1  }
0xa: {  	[smem:$0x3FAC] =	sst s2  }
0xb: {  	[smem:$0x3FAD] =	sst s3  }
0xc: {  	[smem:$0x3FAE] =	sst s4  }
0xd: {  	[smem:$0x3FAF] =	sst s5  }
0xe: {  	[smem:$0x3FB0] =	sst s6  }
0xf: {  	[smem:$0x3FB1] =	sst s7  }
0x10: {  	[smem:$0x3FB2] =	sst s8  }
0x11: {  	[smem:$0x3FB3] =	sst s9;
	s0 =	simm.s32 @!p0 $0x0  }
0x12: {  	s1 =	sld [smem:$0x3F99];
	s0 =	simm.s32 @p0 $0x1  }
0x13: {  	[smem:$0x3FB4] =	sst s0;
	s0 =	simm.s32 @!p1 $0x0  }
0x14: {  	s2 =	sld [smem:$0x3F98];
	s0 =	simm.s32 @p1 $0x1  }
0x15: {  	[smem:$0x3FB5] =	sst s0;
	s0 =	simm.s32 @!p2 $0x0  }
0x16: {  	s3 =	sld [smem:$0x3FDB];
	s0 =	simm.s32 @p2 $0x1  }
0x17: {  	s4 =	simm.s32 $0x1BF5;
	[smem:$0x3FB7] =	sst s0  }
0x18: {  	s0 =	sld [smem:$0x3F9A];
	_ =	swait.ge [sflag:s4], $0x0  }
0x19: {  	s7 =	sld [smem:$0x3F9B]  }
0x1a: {  	s8 =	sadd.s32 $0xFFFFE003, lr  }
0x1b: {  	s9 =	sadd.s32 $0xFFFFFEF7, lr;
	s5 =	simm.s32 $0xFFFFFFFF;
	p2 =	slt.u32 s8, $0xFFFFF086  }
0x1c: {  	p1 =	slt.u32 s9, $0xF7A;
	s5 =	simm.s32 @!p2 $0x0  }
0x1d: {  	s5 =	simm.s32 @p1 $0x1;
	p0 =	seq.s32 s7, s2  }
0x1e: {  	s7 =	smul.u32 @!p0 $0xF7A, s2;
	p2 =	seq.s32 @!p0 s5, $0x0  }
0x1f: {  	s9 =	smul.u32 $0xF7A, s1;
	s8 =	simm.s32 @!p0 $0x1BF5;
	p2 =	por !p2, p0  }
0x20: {  	[sflag:s8] =	ssyncset.s32 @!p0 $0xFFFFF086;
	s6 =	sadd.s32 @!p0 s3, s7;
	s7 =	simm.s32 @!p0 $0x108  }
0x21: {  	s3 =	sadd.s32 s3, s9;
	s6 =	sadd.s32 @!p0 $0x88, s6;
	s7 =	simm.s32 @p2 $0x1082  }
0x22: {  	[simem:s7], [sflag:s8] =	dma.local @!p0 [hbm:s6], $0xF7A  }
0x23: {  	s9 =	sor.u32 $0xD0000000, s2;
	s6 =	simm.s32 $0x108;
	_ =	swait.ge @!p0 [sflag:s8], $0x0  }
0x24: {  	s3 =	sadd.s32 $0x88, s3;
	s6 =	simm.s32 @!p1 $0x1082;
	[sflag:s4] =	ssyncset.s32 $0xFFFFF086  }
0x25: {  	[simem:s6], [sflag:s4] =	dma.local [hbm:s3], $0xF7A  }
0x26: {  	[smem:$0x3F9B] =	sst s1;
	(tag) =	ssettag s2;
	_ =	strace s9  }
0x27: {  	s1 =	sld [smem:$0x3FAB]  }
0x28: {  	s2 =	sld [smem:$0x3FAC]  }
0x29: {  	s4 =	sld [smem:$0x3FAE]  }
0x2a: {  	p0 =	seq.s32 s5, $0x0;
	s5 =	sld [smem:$0x3FAF]  }
0x2b: {  	s6 =	sld [smem:$0x3FB0]  }
0x2c: {  	s7 =	sld [smem:$0x3FB1]  }
0x2d: {  	s3 =	simm.s32 $0x108;
	s8 =	sld [smem:$0x3FB2]  }
0x2e: {  	s3 =	simm.s32 @!p0 $0x1082;
	s9 =	sld [smem:$0x3FB3]  }
0x2f: {  	lr =	sadd.s32 s0, s3;
	s0 =	sld [smem:$0x3FAA]  }
0x30: {  	s3 =	sld [smem:$0x3FAD]  }
0x31: {  	[smem:$0x3FB6] =	sst s10  }
0x32: {  	s10 =	sld [smem:$0x3FB4];
	_ =	sdelay $0x3  }
0x33: {  	p0 =	seq.s32 s10, $0x1;
	s10 =	sld [smem:$0x3FB6];
	_ =	sdelay $0x3  }
0x34: {  	[smem:$0x3FB6] =	sst s10  }
0x35: {  	s10 =	sld [smem:$0x3FB5];
	_ =	sdelay $0x3  }
0x36: {  	p1 =	seq.s32 s10, $0x1;
	s10 =	sld [smem:$0x3FB6];
	_ =	sdelay $0x3  }
0x37: {  	[smem:$0x3FB6] =	sst s10  }
0x38: {  	s10 =	sld [smem:$0x3FB7]  }
0x39: {  	_ = 	snop;
	(pc) =	sbr.ind lr, $3  }
0x3a: {  	_ = 	snop  }
0x3b: {  	_ = 	snop  }
0x3c: {  	p2 =	seq.s32 s10, $0x1;
	s10 =	sld [smem:$0x3FB6]  }
0x3d: {  	_ =	shalt  }
0x3e: {  	_ =	shalt  }
0x3f: {  	_ =	shalt  }
0x40: {  	_ =	shalt  }
0x41: {  	_ =	shalt  }
0x42: {  	_ =	shalt  }
0x43: {  	_ =	shalt  }
0x44: {  	_ =	shalt  }
0x45: {  	_ =	shalt  }
0x46: {  	_ =	shalt  }
0x47: {  	_ =	shalt  }
0x48: {  	_ =	shalt  }
0x49: {  	_ =	shalt  }
0x4a: {  	_ =	shalt  }
0x4b: {  	_ =	shalt  }
0x4c: {  	_ =	shalt  }
0x4d: {  	_ =	shalt  }
0x4e: {  	_ =	shalt  }
0x4f: {  	_ =	shalt  }
0x50: {  	_ =	shalt  }
0x51: {  	_ =	shalt  }
0x52: {  	_ =	shalt  }
0x53: {  	_ =	shalt  }
0x54: {  	_ =	shalt  }
0x55: {  	_ =	shalt  }
0x56: {  	_ =	shalt  }
0x57: {  	_ =	shalt  }
0x58: {  	_ =	shalt  }
0x59: {  	_ =	shalt  }
0x5a: {  	_ =	shalt  }
0x5b: {  	_ =	shalt  }
0x5c: {  	_ =	shalt  }
0x5d: {  	_ =	shalt  }
0x5e: {  	_ =	shalt  }
0x5f: {  	_ =	shalt  }
0x60: {  	_ =	shalt  }
0x61: {  	_ =	shalt  }
0x62: {  	_ =	shalt  }
0x63: {  	_ =	shalt  }
0x64: {  	_ =	shalt  }
0x65: {  	_ =	shalt  }
0x66: {  	_ =	shalt  }
0x67: {  	_ =	shalt  }
0x68: {  	_ =	shalt  }
0x69: {  	_ =	shalt  }
0x6a: {  	_ =	shalt  }
0x6b: {  	_ =	shalt  }
0x6c: {  	_ =	shalt  }
0x6d: {  	_ =	shalt  }
0x6e: {  	_ =	shalt  }
0x6f: {  	_ =	shalt  }
0x70: {  	_ =	shalt  }
0x71: {  	_ =	shalt  }
0x72: {  	_ =	shalt  }
0x73: {  	_ =	shalt  }
0x74: {  	_ =	shalt  }
0x75: {  	_ =	shalt  }
0x76: {  	_ =	shalt  }
0x77: {  	_ =	shalt  }
0x78: {  	_ =	shalt  }
0x79: {  	_ =	shalt  }
0x7a: {  	_ =	shalt  }
0x7b: {  	_ =	shalt  }
0x7c: {  	_ =	shalt  }
0x7d: {  	_ =	shalt  }
0x7e: {  	_ =	shalt  }
0x7f: {  	_ =	shalt  }
0x80: {  	_ =	shalt  }
0x81: {  	_ =	shalt  }
0x82: {  	_ =	shalt  }
0x83: {  	_ =	shalt  }
0x84: {  	_ =	shalt  }
0x85: {  	_ =	shalt  }
0x86: {  	_ =	shalt  }
0x87: {  	_ =	shalt  }
.Lfunc_end0:
.L_simem_size_0:
called_computation.2_lowered:
.L_overlay_start_0:
0x88: {  	s2 =	sld [smem:$0x3FD9]  }
0x89: {  	s3 =	sld [smem:$0x3FFE];
	_ =	sdelay $0x1  }
0x8a: {  	s1 =	srdreg.scid  }
0x8b: {  	s0 =	sand.u32 $0x1, s1  }
0x8c: {  	s16 =	sshll.u32 s0, $0xA;
	s2 =	sadd.s32 s3, s2  }
0x8d: {  	s2 =	sadd.s32 s2, s16  }
0x8e: {  	[smem:$0x3FC2] =	sst s2  }
0x8f: {  	_ = 	snop  }
0x90: {  	(tm) =	ssettm $0x1  }
0x91: {  	s17 =	sld [smem:$0x3FFB];
	_ =	sdelay $0x3  }
0x92: {  	_ =	strace s17  }
0x93: {  	s2 =	sld [smem:$0x3FFC];
	_ =	sdelay $0x3  }
0x94: {  	_ =	strace s2  }
0x95: {  	s2 =	sld [smem:$0x3FFD];
	_ =	sdelay $0x3  }
0x96: {  	_ =	strace s2  }
0x97: {  	_ =	strace $0x8FFFFFFF  }
0x98: {  	s18 =	sld [smem:$0x3FDB];
	_ =	sdelay $0x1  }
0x99: {  	s19 =	simm.s32 $_scs_section_size  }
0x9a: {  	s4 =	simm.s32 $_size__tile_overlayer_lowered;
	s5 =	simm.s32 $_tile_overlayer_lowered  }
0x9b: {  	s22 =	simm.s32 $0x1BFF;
	s21 =	sshll.u32 s5, $0x1;
	s2 =	sadd.s32 s19, s18  }
0x9c: {  	s6 =	simm.s32 $0x0;
	s20 =	sshll.u32 s4, $0x1;
	s4 =	sadd.s32 s21, s2  }
0x9d: {  	[timem:s6], [sflag:s22] =	dma.local [hbm:s4], s20  }
0x9e: {  	_ =	swait.ge [sflag:s22], s20  }
0x9f: {  	s3 =	ssub.s32 $0x0, s20;
	[sflag:s22] =	ssyncset.done $0x0  }
0xa0: {  	[sflag:s22] =	ssyncadd.s32 s3;
	_ =	sdelay $0x1  }
0xa1: {  	s23 =	simm.s32 $0x1B8B  }
0xa2: {  	_ =	swait.ge [sflag:s23], $0x1  }
0xa3: {  	[sflag:s23] =	ssyncset.done $0x0  }
0xa4: {  	s25 =	simm.s32 $0x1B8E;
	s24 =	sld [smem:$0x3FFE];
	[sflag:s23] =	ssyncadd.s32 $0xFFFFFFFF  }
0xa5: {  	s26 =	simm.s32 $execute0_lowered;
	[smem:$0x3FD2] =	sst s25  }
0xa6: {  	s4 =	sshll.u32 s26, $0x1;
	_ =	strace $0x8000004C;
	[dreg:$0x1] =	wrdreg $0xFFFFFFFF  }
0xa7: {  	s28 =	simm.s32 $_size_execute0_lowered;
	s2 =	sadd.s32 s2, s4;
	[dreg:$0x0] =	wrdreg $0x0  }
0xa8: {  	s4 =	sshll.u32 s28, $0x1;
	[dreg:$0x2] =	wrdreg s2  }
0xa9: {  	[dreg:$0x3] =	wrdreg s4  }
0xaa: {  	[dreg:$0x4] =	wrdreg $0xC0  }
0xab: {  	_ =	task [dreg:s6], $0x5FFFF  }
0xac: {  	[dreg:$0x1] =	wrdreg $0xFFFFFFFF  }
0xad: {  	[dreg:$0x0] =	wrdreg $0x60  }
0xae: {  	[dreg:$0x2] =	wrdreg s24  }
0xaf: {  	[dreg:$0x3] =	wrdreg $0x6C800  }
0xb0: {  	[dreg:$0x4] =	wrdreg $0x9  }
0xb1: {  	_ =	task.clear_ibuf [dreg:s6], $0x5FFFF;
	_ =	strace $0x9000004C  }
0xb2: {  	s29 =	simm.s32 $0x9;
	_ =	strace $0x8000004E  }
0xb3: {  	_ =	swait.ge [sflag:s29], $0x1  }
0xb4: {  	[sflag:s29] =	ssyncadd.s32 $0xFFFFFFFF  }
0xb5: {  	_ =	strace $0x9000004E  }
0xb6: {  	_ =	sfence  }
0xb7: {  	s30 =	sld [smem:$0x0];
	_ =	sdelay $0x2  }
0xb8: {  	s31 =	sshll.u32 s1, $0xD;
	s1 =	sshrl.u32 s1, $0x2  }
0xb9: {  	s3 =	sand.u32 $0x4000, s31;
	s1 =	sadd.s32 s1, s30  }
0xba: {  	s0 =	sor.u32 s3, s0;
	s1 =	sshll.u32 s1, $0x11  }
0xbb: {  	s0 =	sor.u32 s1, s0  }
0xbc: {  	s0 =	sadd.s32 $0x8F2B, s0  }
0xbd: {  	[sflag:s0] =	ssyncadd.remote.s32 $0x1  }
0xbe: {  	_ =	sfence.sel $0xFFFF  }
0xbf: {  	[dreg:$0x0] =	wrdreg $0xFFFFFFFF;
	(pc) =	sbr.abs _section_cstart, $3  }
0xc0: {  	[dreg:$0x1] =	wrdreg $0xFFFFFFFF  }
0xc1: {  	_ =	task.clear_ibuf [dreg:s6], $0x2FFFF;
	_ =	strace $0x9FFFFFFF  }
0xc2: {  	(tm) =	ssettm $0x7FFFFFFF  }
0xc3: {  	_ =	shalt  }
tec
execute0_lowered:
.L_overlay_start_1:
0x0: {  	(tag) =	ssettag $0x1  }
0x1: {  	s7 =	rddreg [dreg:$0x0]  }
0x2: {  	s0 =	srdreg.scid;
	s2 =	rddreg [dreg:$0x1]  }
0x3: {  	s3 =	simm.s32 $0x0;
	s16 =	simm.s32 $0x2780;
	s17 =	simm.s32 $0x80  }
0x4: {  	s18 =	simm.s32 $0x2880;
	s19 =	simm.s32 $0x2800;
	s6 =	sand.u32 $0x1, s0  }
0x5: {  	s20 =	simm.s32 $0x4880;
	s0 =	stileid.u32;
	s8 =	smul.u32 $0xA0000, s6  }
0x6: {  	s21 =	simm.s32 $0x3;
	s22 =	simm.s32 $0x2;
	s10 =	smul.u32 $0xA000, s0  }
0x7: {  	s24 =	simm.s32 $0x0;
	[smem:$0x7FF] =	sst s3;
	s12 =	smul.u32 $0x28000, s0  }
0x8: {  	s5 =	sadd.s32 $0x1E00, s7;
	s1 =	sshll.u32 s6, $0x4;
	s13 =	smul.u32 $0x27800, s6  }
0x9: {  	s6 =	ssub.s32 $0x2, s6;
	s14 =	smul.u32 $0x2780, s0;
	s4 =	sor.u32 s0, s1  }
0xa: {  	s1 =	rddreg [dreg:$0x2];
	_ =	strace $0x8000004D;
	s26 =	sshrl.u32 s6, $0x1  }
0xb: {  	s4 =	smul.u32 $0x2780, s4;
	s8 =	sadd.s32 s10, s8;
	s28 =	sshrl.u32 s12, $0x2  }
0xc: {  	s29 =	ssub.s32 s6, s26;
	s13 =	sadd.s32 s14, s13;
	s23 =	sadd.s32 s10, s2  }
0xd: {  	s14 =	simm.s32 $0x4;
	s8 =	sshrl.u32 s8, $0x3;
	s6 =	sadd.s32 s28, s2  }
0xe: {  	s30 =	sadd.s32 $0x80, s13;
	s10 =	smax.u32 s29, $0x1;
	s23 =	sshrl.u32 s23, $0x3  }
0xf: {  	s9 =	sshrl.u32 s4, $0x3;
	s4 =	sadd.s32 $0x15A00, s7;
	s15 =	sadd.s32 s8, s7  }
0x10: {  	s31 =	sshrl.u32 s30, $0x3;
	s11 =	sadd.s32 s9, s7;
	s8 =	sadd.s32 s5, s9  }
0x11: {  	s9 =	sadd.s32 $0x29A00, s15;
	s12 =	sadd.s32 s31, s5;
	s15 =	simm.s32 $0x1  }
0x12: {  	v0 =	vimm.f32 $0.0e+00;
	s7 =	sadd.s32 $0xBC00, s11;
	s11 =	sadd.s32 $0x100, s13;
	s13 =	simm.s32 $0x6880  }
.LBB2_1:
0x13: {  	[tilespmem:$0x6880] =	vst v0  }
0x14: {  	[tilespmem:$0x6890] =	vst v0  }
0x15: {  	[tilespmem:$0x68A0] =	vst v0  }
0x16: {  	[tilespmem:$0x68B0] =	vst v0  }
0x17: {  	[tilespmem:$0x68C0] =	vst v0  }
0x18: {  	[tilespmem:$0x68D0] =	vst v0  }
0x19: {  	[tilespmem:$0x68E0] =	vst v0  }
0x1a: {  	[tilespmem:$0x68F0] =	vst v0  }
0x1b: {  	[tilespmem:$0x6900] =	vst v0  }
0x1c: {  	[tilespmem:$0x6910] =	vst v0  }
0x1d: {  	[tilespmem:$0x6920] =	vst v0  }
0x1e: {  	[tilespmem:$0x6930] =	vst v0  }
0x1f: {  	[tilespmem:$0x6940] =	vst v0  }
0x20: {  	[tilespmem:$0x6950] =	vst v0  }
0x21: {  	[tilespmem:$0x6960] =	vst v0  }
0x22: {  	[tilespmem:$0x6970] =	vst v0  }
0x23: {  	[tilespmem:$0x6980] =	vst v0  }
0x24: {  	[tilespmem:$0x6990] =	vst v0  }
0x25: {  	[tilespmem:$0x69A0] =	vst v0  }
0x26: {  	[tilespmem:$0x69B0] =	vst v0  }
0x27: {  	[tilespmem:$0x69C0] =	vst v0  }
0x28: {  	[tilespmem:$0x69D0] =	vst v0  }
0x29: {  	[tilespmem:$0x69E0] =	vst v0  }
0x2a: {  	[tilespmem:$0x69F0] =	vst v0  }
0x2b: {  	[tilespmem:$0x6A00] =	vst v0  }
0x2c: {  	[tilespmem:$0x6A10] =	vst v0  }
0x2d: {  	[tilespmem:$0x6A20] =	vst v0  }
0x2e: {  	[tilespmem:$0x6A30] =	vst v0  }
0x2f: {  	[tilespmem:$0x6A40] =	vst v0  }
0x30: {  	[tilespmem:$0x6A50] =	vst v0  }
0x31: {  	[tilespmem:$0x6A60] =	vst v0  }
0x32: {  	[tilespmem:$0x6A70] =	vst v0  }
0x33: {  	[tilespmem:$0x6A80] =	vst v0  }
0x34: {  	[tilespmem:$0x6A90] =	vst v0  }
0x35: {  	[tilespmem:$0x6AA0] =	vst v0  }
0x36: {  	[tilespmem:$0x6AB0] =	vst v0  }
0x37: {  	[tilespmem:$0x6AC0] =	vst v0  }
0x38: {  	[tilespmem:$0x6AD0] =	vst v0  }
0x39: {  	[tilespmem:$0x6AE0] =	vst v0  }
0x3a: {  	[tilespmem:$0x6AF0] =	vst v0  }
0x3b: {  	[tilespmem:$0x6B00] =	vst v0  }
0x3c: {  	[tilespmem:$0x6B10] =	vst v0  }
0x3d: {  	[tilespmem:$0x6B20] =	vst v0  }
0x3e: {  	[tilespmem:$0x6B30] =	vst v0  }
0x3f: {  	[tilespmem:$0x6B40] =	vst v0  }
0x40: {  	[tilespmem:$0x6B50] =	vst v0  }
0x41: {  	[tilespmem:$0x6B60] =	vst v0  }
0x42: {  	[tilespmem:$0x6B70] =	vst v0  }
0x43: {  	[tilespmem:$0x6B80] =	vst v0  }
0x44: {  	[tilespmem:$0x6B90] =	vst v0  }
0x45: {  	[tilespmem:$0x6BA0] =	vst v0  }
0x46: {  	[tilespmem:$0x6BB0] =	vst v0  }
0x47: {  	[tilespmem:$0x6BC0] =	vst v0  }
0x48: {  	[tilespmem:$0x6BD0] =	vst v0  }
0x49: {  	[tilespmem:$0x6BE0] =	vst v0  }
0x4a: {  	[tilespmem:$0x6BF0] =	vst v0  }
0x4b: {  	[tilespmem:$0x6C00] =	vst v0  }
0x4c: {  	[tilespmem:$0x6C10] =	vst v0  }
0x4d: {  	[tilespmem:$0x6C20] =	vst v0  }
0x4e: {  	[tilespmem:$0x6C30] =	vst v0  }
0x4f: {  	[tilespmem:$0x6C40] =	vst v0  }
0x50: {  	[tilespmem:$0x6C50] =	vst v0  }
0x51: {  	[tilespmem:$0x6C60] =	vst v0  }
0x52: {  	[tilespmem:$0x6C70] =	vst v0;
	s25 =	sadd.s32 $0x0, s6  }
0x53: {  	[spmem:s25] =	stream.linear.scatter [tilespmem:s13], [sflag:$0x4], $0x400, $0x38;
	[tilespmem:$0x10C80] =	vst v63  }
0x54: {  	s25 =	simm.s32 $0x1000;
	_ =	swait.ge [sflag:s14], $0x400  }
.LBB2_2:
0x55: {  	s26 =	sshra.s32 s25, $0x2;
	[sflag:s14] =	ssyncset.done $0x0;
	p0 =	sne.s32 s25, $0x27000  }
.Ltmp0:
0x56: {  	s26 =	sadd.s32 s26, s6;
	[sflag:s14] =	ssyncadd.s32 $0xFFFFFC00;
	(pc) =	sbr.rel @p0 .LBB2_2-.Ltmp0, $3  }
0x57: {  	[spmem:s26] =	stream.linear.scatter [tilespmem:s13], [sflag:$0x4], $0x400, $0x38;
	[tilespmem:$0x10C80] =	vst v63  }
0x58: {  	s25 =	sadd.s32 $0x1000, s25;
	_ =	sdelay $0x1  }
0x59: {  	_ =	swait.ge [sflag:s14], $0x400  }
0x5a: {  	[sflag:s14] =	ssyncset.done $0x0  }
0x5b: {  	s25 =	simm.s32 $0x0;
	[sflag:s14] =	ssyncadd.s32 $0xFFFFFC00  }
0x5c: {  	[tilespmem:s25], [sflag:$0x1] =	stream.linear.gather [hbm4b:s7+s25], $0x2780, $0x38;
	[tilespmem:$0x10C80] =	vst v63  }
0x5d: {  	_ =	swait.ge [sflag:s15], $0x2780  }
0x5e: {  	[sflag:s15] =	ssyncset.done $0x0  }
0x5f: {  	[sflag:s15] =	ssyncadd.s32 $0xFFFFD880  }
0x60: {  	[bflag:$0x0] =	sbarrier.arrive $0xFFFF  }
0x61: {  	[tilespmem:s16], [sflag:$0x4] =	stream.linear.gather [hbm4b:s8+s25], $0x80, $0x38;
	[tilespmem:$0x10C80] =	vst v63  }
0x62: {  	_ =	swait.ge [sflag:s14], $0x80  }
0x63: {  	[sflag:s14] =	ssyncset.done $0x0  }
0x64: {  	[sflag:s14] =	ssyncadd.s32 $0xFFFFFF80  }
0x65: {  	[tilespmem:s18], [sflag:$0x1] =	stream.indirect.gather [hbm4b:s4+s17], $0x40, s25, s17, $0xb8;
	[tilespmem:$0x10C80] =	vst v63  }
0x66: {  	s31 =	sadd.s32 $0x0, s12  }
0x67: {  	[tilespmem:s19], [sflag:$0x3] =	stream.linear.gather [hbm4b:s31+s3], $0x80, $0x38;
	[tilespmem:$0x10C80] =	vst v63  }
0x68: {  	_ =	swait.ge [sflag:s15], $0x2000  }
0x69: {  	[sflag:s15] =	ssyncset.done $0x0  }
0x6a: {  	s26 =	simm.s32 $0x80;
	[sflag:s15] =	ssyncadd.s32 $0xFFFFE000  }
0x6b: {  	[tilespmem:s20], [sflag:$0x2] =	stream.indirect.gather [hbm4b:s4+s17], $0x40, s26, s17, $0xb8;
	[tilespmem:$0x10C80] =	vst v63  }
0x6c: {  	_ = 	snop  }
0x6d: {  	[spmem:s2] =	stream.indirect.scatter.add.f32 [tilespmem:s18], [sflag:$0x4], $0x40, s16, s17, $0xb8;
	[tilespmem:$0x10C80] =	vst v63  }
0x6e: {  	_ =	swait.ge [sflag:s14], $0x2000  }
0x6f: {  	[sflag:s14] =	ssyncset.done $0x0  }
0x70: {  	[sflag:s14] =	ssyncadd.s32 $0xFFFFE000  }
0x71: {  	_ =	swait.ge [sflag:s21], $0x80  }
0x72: {  	s30 =	sshrl.u32 s11, $0x3;
	[sflag:s21] =	ssyncset.done $0x0  }
0x73: {  	s25 =	sadd.s32 s5, s30;
	[sflag:s21] =	ssyncadd.s32 $0xFFFFFF80  }
0x74: {  	[tilespmem:s16], [sflag:$0x3] =	stream.linear.gather [hbm4b:s25+s3], $0x80, $0x38;
	[tilespmem:$0x10C80] =	vst v63  }
0x75: {  	_ =	swait.ge [sflag:s22], $0x2000  }
0x76: {  	[sflag:s22] =	ssyncset.done $0x0  }
0x77: {  	s31 =	simm.s32 $0x100;
	[sflag:s22] =	ssyncadd.s32 $0xFFFFE000  }
0x78: {  	[tilespmem:s18], [sflag:$0x1] =	stream.indirect.gather [hbm4b:s4+s17], $0x40, s31, s17, $0xb8;
	[tilespmem:$0x10C80] =	vst v63  }
0x79: {  	_ = 	snop  }
0x7a: {  	[spmem:s2] =	stream.indirect.scatter.add.f32 [tilespmem:s20], [sflag:$0x4], $0x40, s19, s17, $0xb8;
	[tilespmem:$0x10C80] =	vst v63  }
0x7b: {  	_ =	swait.ge [sflag:s14], $0x2000  }
0x7c: {  	[sflag:s14] =	ssyncset.done $0x0  }
0x7d: {  	[sflag:s14] =	ssyncadd.s32 $0xFFFFE000  }
0x7e: {  	s28 =	simm.s32 $0x20;
	s29 =	simm.s32 $0x40;
	_ =	swait.ge [sflag:s21], $0x80  }
0x7f: {  	s26 =	sadd.s32 $0x100, s11;
	s25 =	simm.s32 $0x200;
	[sflag:s21] =	ssyncset.done $0x0  }
.LBB2_4:
0x80: {  	s30 =	sadd.s32 s28, s12  }
0x81: {  	[sflag:s21] =	ssyncadd.s32 $0xFFFFFF80;
	s28 =	smov.u32 s29;
	s31 =	sadd.s32 $0x20, s29  }
0x82: {  	[tilespmem:s19], [sflag:$0x3] =	stream.linear.gather [hbm4b:s30+s3], $0x80, $0x38;
	[tilespmem:$0x10C80] =	vst v63  }
0x83: {  	p0 =	sne.s32 s29, $0x4C0;
	_ =	swait.ge [sflag:s15], $0x2000  }
0x84: {  	[sflag:s15] =	ssyncset.done $0x0  }
0x85: {  	s29 =	sadd.s32 $0xFFFFFF80, s25;
	[sflag:s15] =	ssyncadd.s32 $0xFFFFE000  }
0x86: {  	[tilespmem:s20], [sflag:$0x2] =	stream.indirect.gather [hbm4b:s4+s17], $0x40, s29, s17, $0xb8;
	[tilespmem:$0x10C80] =	vst v63  }
0x87: {  	_ = 	snop  }
0x88: {  	[spmem:s2] =	stream.indirect.scatter.add.f32 [tilespmem:s18], [sflag:$0x4], $0x40, s16, s17, $0xb8;
	[tilespmem:$0x10C80] =	vst v63  }
0x89: {  	_ =	swait.ge [sflag:s14], $0x2000  }
0x8a: {  	[sflag:s14] =	ssyncset.done $0x0  }
0x8b: {  	[sflag:s14] =	ssyncadd.s32 $0xFFFFE000  }
0x8c: {  	_ =	swait.ge [sflag:s21], $0x80  }
0x8d: {  	s29 =	sshrl.u32 s26, $0x3;
	[sflag:s21] =	ssyncset.done $0x0  }
0x8e: {  	s29 =	sadd.s32 s5, s29;
	[sflag:s21] =	ssyncadd.s32 $0xFFFFFF80  }
0x8f: {  	[tilespmem:s16], [sflag:$0x3] =	stream.linear.gather [hbm4b:s29+s3], $0x80, $0x38;
	[tilespmem:$0x10C80] =	vst v63  }
0x90: {  	_ =	swait.ge [sflag:s22], $0x2000  }
0x91: {  	[sflag:s22] =	ssyncset.done $0x0  }
0x92: {  	[sflag:s22] =	ssyncadd.s32 $0xFFFFE000  }
0x93: {  	[tilespmem:s18], [sflag:$0x1] =	stream.indirect.gather [hbm4b:s4+s17], $0x40, s25, s17, $0xb8;
	[tilespmem:$0x10C80] =	vst v63  }
0x94: {  	_ = 	snop  }
0x95: {  	[spmem:s2] =	stream.indirect.scatter.add.f32 [tilespmem:s20], [sflag:$0x4], $0x40, s19, s17, $0xb8;
	[tilespmem:$0x10C80] =	vst v63  }
.Ltmp1:
0x96: {  	_ =	swait.ge [sflag:s14], $0x2000;
	(pc) =	sbr.rel @p0 .LBB2_4-.Ltmp1, $4  }
0x97: {  	[sflag:s14] =	ssyncset.done $0x0  }
0x98: {  	[sflag:s14] =	ssyncadd.s32 $0xFFFFE000  }
0x99: {  	s26 =	sadd.s32 $0x100, s26;
	_ =	swait.ge [sflag:s21], $0x80  }
0x9a: {  	s29 =	smov.u32 s31;
	s25 =	sadd.s32 $0x100, s25;
	[sflag:s21] =	ssyncset.done $0x0  }
0x9b: {  	s28 =	sadd.s32 s28, s12;
	[sflag:s21] =	ssyncadd.s32 $0xFFFFFF80  }
0x9c: {  	[tilespmem:s19], [sflag:$0x3] =	stream.linear.gather [hbm4b:s28+s3], $0x80, $0x38;
	[tilespmem:$0x10C80] =	vst v63  }
0x9d: {  	_ =	swait.ge [sflag:s15], $0x2000  }
0x9e: {  	[sflag:s15] =	ssyncset.done $0x0  }
0x9f: {  	s30 =	sadd.s32 $0xFFFFFF80, s25;
	[sflag:s15] =	ssyncadd.s32 $0xFFFFE000  }
0xa0: {  	[tilespmem:s20], [sflag:$0x2] =	stream.indirect.gather [hbm4b:s4+s17], $0x40, s30, s17, $0xb8;
	[tilespmem:$0x10C80] =	vst v63  }
0xa1: {  	_ = 	snop  }
0xa2: {  	[spmem:s2] =	stream.indirect.scatter.add.f32 [tilespmem:s18], [sflag:$0x4], $0x40, s16, s17, $0xb8;
	[tilespmem:$0x10C80] =	vst v63  }
0xa3: {  	_ =	swait.ge [sflag:s14], $0x2000  }
0xa4: {  	[sflag:s14] =	ssyncset.done $0x0  }
0xa5: {  	[sflag:s14] =	ssyncadd.s32 $0xFFFFE000  }
0xa6: {  	_ =	swait.ge [sflag:s21], $0x80  }
0xa7: {  	s26 =	sshrl.u32 s26, $0x3;
	[sflag:s21] =	ssyncset.done $0x0  }
0xa8: {  	s26 =	sadd.s32 s5, s26;
	[sflag:s21] =	ssyncadd.s32 $0xFFFFFF80  }
0xa9: {  	[tilespmem:s16], [sflag:$0x3] =	stream.linear.gather [hbm4b:s26+s3], $0x80, $0x38;
	[tilespmem:$0x10C80] =	vst v63  }
0xaa: {  	_ =	swait.ge [sflag:s22], $0x2000  }
0xab: {  	[sflag:s22] =	ssyncset.done $0x0  }
0xac: {  	[sflag:s22] =	ssyncadd.s32 $0xFFFFE000  }
0xad: {  	[tilespmem:s18], [sflag:$0x1] =	stream.indirect.gather [hbm4b:s4+s17], $0x40, s25, s17, $0xb8;
	[tilespmem:$0x10C80] =	vst v63  }
0xae: {  	_ = 	snop  }
0xaf: {  	[spmem:s2] =	stream.indirect.scatter.add.f32 [tilespmem:s20], [sflag:$0x4], $0x40, s19, s17, $0xb8;
	[tilespmem:$0x10C80] =	vst v63  }
0xb0: {  	_ =	swait.ge [sflag:s14], $0x2000  }
0xb1: {  	[sflag:s14] =	ssyncset.done $0x0  }
0xb2: {  	[sflag:s14] =	ssyncadd.s32 $0xFFFFE000  }
0xb3: {  	_ =	swait.ge [sflag:s21], $0x80  }
0xb4: {  	[sflag:s21] =	ssyncset.done $0x0  }
0xb5: {  	[sflag:s21] =	ssyncadd.s32 $0xFFFFFF80  }
0xb6: {  	_ =	swait.ge [sflag:s15], $0x2000  }
0xb7: {  	[sflag:s15] =	ssyncset.done $0x0  }
0xb8: {  	[sflag:s15] =	ssyncadd.s32 $0xFFFFE000  }
0xb9: {  	[spmem:s2] =	stream.indirect.scatter.add.f32 [tilespmem:s18], [sflag:$0x4], $0x40, s16, s17, $0xb8;
	[tilespmem:$0x10C80] =	vst v63  }
0xba: {  	_ =	swait.ge [sflag:s14], $0x2000  }
0xbb: {  	s24 =	sadd.s32 $0x1, s24;
	[sflag:s14] =	ssyncset.done $0x0  }
0xbc: {  	s31 =	sshll.u32 s0, $0x6;
	p0 =	sne.s32 s24, s10;
	[sflag:s14] =	ssyncadd.s32 $0xFFFFE000  }
.Ltmp2:
0xbd: {  	s25 =	sor.u32 $0x1C04, s31;
	[bflag:$0x0] =	sbarrier.arrive $0xFFFF;
	(pc) =	sbr.rel @p0 .LBB2_1-.Ltmp2, $4  }
0xbe: {  	[hbm:s9], [sflag:s25] =	dma.local [spmem:s23], $0x1400  }
0xbf: {  	_ =	swait.ge [sflag:s14], $0x1400  }
0xc0: {  	[sflag:s14] =	ssyncset.done $0x0  }
0xc1: {  	[sflag:s14] =	ssyncadd.s32 $0xFFFFEC00  }
0xc2: {  	_ =	sfence.sel $0x180000  }
0xc3: {  	[bflag:$0x0] =	sbarrier.arrive $0xFFFF  }
0xc4: {  	p0 =	sne.s32 s0, $0x0;
	_ =	strace $0x9000004D  }
0xc5: {  	s0 =	sadd.s32 @!p0 $0x100000, s1;
	[bflag:$0x2] =	sbarrier.arrive $0xFFFF  }
0xc6: {  	[sflag:s0] =	ssyncadd.tile.s32 @!p0 $0x1;
	_ =	shalt  }
.Lfunc_end2:
_tile_overlayer_lowered:
.L_overlay_start_2:
0xc7: {  	(tag) =	ssettag $0x2  }
0xc8: {  	s0 =	rddreg [dreg:$0x0];
	s2 =	stileid.u32  }
0xc9: {  	s1 =	rddreg [dreg:$0x1];
	p0 =	sne.s32 s2, $0x0  }
0xca: {  	s3 =	rddreg [dreg:$0x2];
	[bflag:$0x3] =	sbarrier.arrive $0xFFFF;
	s2 =	simm.s32 @!p0 $0x1C04  }
0xcb: {  	[timem:s3], [sflag:s2] =	dma.local @!p0 [hbm:s0], s1  }
0xcc: {  	s0 =	simm.s32 @!p0 $0x4  }
0xcd: {  	_ =	swait.ge @!p0 [sflag:s0], s1  }
0xce: {  	s1 =	ssub.s32 @!p0 $0x0, s1;
	[sflag:s0] =	ssyncset.done @!p0 $0x0  }
0xcf: {  	[sflag:s0] =	ssyncadd.s32 @!p0 s1  }
0xd0: {  	[bflag:$0x3] =	sbarrier.arrive $0xFFFF  }
0xd1: {  	_ =	shalt  }

// kernel: kernel.9.cloned.1.call-start
scs
__scs_entry_jumppad:
0x0: {  	(pc) =	sbr.rel $0x88, $3  }
0x1: {  	(tag) =	ssettag $0x0;
	lr =	simm.s32 $0x1  }
0x2: {  	[smem:$0x3F9B] =	sst lr;
	_ =	strace $0xD0000000  }
0x3: {  	_ = 	snop  }
0x4: {  	_ = 	snop  }
0x5: {  	_ = 	snop  }
0x6: {  	_ = 	snop  }
0x7: {  	_ = 	snop  }
__scs_overlays_trampoline_lowered:
0x8: {  	[smem:$0x3FAA] =	sst s0  }
0x9: {  	[smem:$0x3FAB] =	sst s1  }
0xa: {  	[smem:$0x3FAC] =	sst s2  }
0xb: {  	[smem:$0x3FAD] =	sst s3  }
0xc: {  	[smem:$0x3FAE] =	sst s4  }
0xd: {  	[smem:$0x3FAF] =	sst s5  }
0xe: {  	[smem:$0x3FB0] =	sst s6  }
0xf: {  	[smem:$0x3FB1] =	sst s7  }
0x10: {  	[smem:$0x3FB2] =	sst s8  }
0x11: {  	[smem:$0x3FB3] =	sst s9;
	s0 =	simm.s32 @!p0 $0x0  }
0x12: {  	s1 =	sld [smem:$0x3F99];
	s0 =	simm.s32 @p0 $0x1  }
0x13: {  	[smem:$0x3FB4] =	sst s0;
	s0 =	simm.s32 @!p1 $0x0  }
0x14: {  	s2 =	sld [smem:$0x3F98];
	s0 =	simm.s32 @p1 $0x1  }
0x15: {  	[smem:$0x3FB5] =	sst s0;
	s0 =	simm.s32 @!p2 $0x0  }
0x16: {  	s3 =	sld [smem:$0x3FDB];
	s0 =	simm.s32 @p2 $0x1  }
0x17: {  	s4 =	simm.s32 $0x1BF5;
	[smem:$0x3FB7] =	sst s0  }
0x18: {  	s0 =	sld [smem:$0x3F9A];
	_ =	swait.ge [sflag:s4], $0x0  }
0x19: {  	s7 =	sld [smem:$0x3F9B]  }
0x1a: {  	s8 =	sadd.s32 $0xFFFFE003, lr  }
0x1b: {  	s9 =	sadd.s32 $0xFFFFFEF7, lr;
	s5 =	simm.s32 $0xFFFFFFFF;
	p2 =	slt.u32 s8, $0xFFFFF086  }
0x1c: {  	p1 =	slt.u32 s9, $0xF7A;
	s5 =	simm.s32 @!p2 $0x0  }
0x1d: {  	s5 =	simm.s32 @p1 $0x1;
	p0 =	seq.s32 s7, s2  }
0x1e: {  	s7 =	smul.u32 @!p0 $0xF7A, s2;
	p2 =	seq.s32 @!p0 s5, $0x0  }
0x1f: {  	s9 =	smul.u32 $0xF7A, s1;
	s8 =	simm.s32 @!p0 $0x1BF5;
	p2 =	por !p2, p0  }
0x20: {  	[sflag:s8] =	ssyncset.s32 @!p0 $0xFFFFF086;
	s6 =	sadd.s32 @!p0 s3, s7;
	s7 =	simm.s32 @!p0 $0x108  }
0x21: {  	s3 =	sadd.s32 s3, s9;
	s6 =	sadd.s32 @!p0 $0x88, s6;
	s7 =	simm.s32 @p2 $0x1082  }
0x22: {  	[simem:s7], [sflag:s8] =	dma.local @!p0 [hbm:s6], $0xF7A  }
0x23: {  	s9 =	sor.u32 $0xD0000000, s2;
	s6 =	simm.s32 $0x108;
	_ =	swait.ge @!p0 [sflag:s8], $0x0  }
0x24: {  	s3 =	sadd.s32 $0x88, s3;
	s6 =	simm.s32 @!p1 $0x1082;
	[sflag:s4] =	ssyncset.s32 $0xFFFFF086  }
0x25: {  	[simem:s6], [sflag:s4] =	dma.local [hbm:s3], $0xF7A  }
0x26: {  	[smem:$0x3F9B] =	sst s1;
	(tag) =	ssettag s2;
	_ =	strace s9  }
0x27: {  	s1 =	sld [smem:$0x3FAB]  }
0x28: {  	s2 =	sld [smem:$0x3FAC]  }
0x29: {  	s4 =	sld [smem:$0x3FAE]  }
0x2a: {  	p0 =	seq.s32 s5, $0x0;
	s5 =	sld [smem:$0x3FAF]  }
0x2b: {  	s6 =	sld [smem:$0x3FB0]  }
0x2c: {  	s7 =	sld [smem:$0x3FB1]  }
0x2d: {  	s3 =	simm.s32 $0x108;
	s8 =	sld [smem:$0x3FB2]  }
0x2e: {  	s3 =	simm.s32 @!p0 $0x1082;
	s9 =	sld [smem:$0x3FB3]  }
0x2f: {  	lr =	sadd.s32 s0, s3;
	s0 =	sld [smem:$0x3FAA]  }
0x30: {  	s3 =	sld [smem:$0x3FAD]  }
0x31: {  	[smem:$0x3FB6] =	sst s10  }
0x32: {  	s10 =	sld [smem:$0x3FB4];
	_ =	sdelay $0x3  }
0x33: {  	p0 =	seq.s32 s10, $0x1;
	s10 =	sld [smem:$0x3FB6];
	_ =	sdelay $0x3  }
0x34: {  	[smem:$0x3FB6] =	sst s10  }
0x35: {  	s10 =	sld [smem:$0x3FB5];
	_ =	sdelay $0x3  }
0x36: {  	p1 =	seq.s32 s10, $0x1;
	s10 =	sld [smem:$0x3FB6];
	_ =	sdelay $0x3  }
0x37: {  	[smem:$0x3FB6] =	sst s10  }
0x38: {  	s10 =	sld [smem:$0x3FB7]  }
0x39: {  	_ = 	snop;
	(pc) =	sbr.ind lr, $3  }
0x3a: {  	_ = 	snop  }
0x3b: {  	_ = 	snop  }
0x3c: {  	p2 =	seq.s32 s10, $0x1;
	s10 =	sld [smem:$0x3FB6]  }
0x3d: {  	_ =	shalt  }
0x3e: {  	_ =	shalt  }
0x3f: {  	_ =	shalt  }
0x40: {  	_ =	shalt  }
0x41: {  	_ =	shalt  }
0x42: {  	_ =	shalt  }
0x43: {  	_ =	shalt  }
0x44: {  	_ =	shalt  }
0x45: {  	_ =	shalt  }
0x46: {  	_ =	shalt  }
0x47: {  	_ =	shalt  }
0x48: {  	_ =	shalt  }
0x49: {  	_ =	shalt  }
0x4a: {  	_ =	shalt  }
0x4b: {  	_ =	shalt  }
0x4c: {  	_ =	shalt  }
0x4d: {  	_ =	shalt  }
0x4e: {  	_ =	shalt  }
0x4f: {  	_ =	shalt  }
0x50: {  	_ =	shalt  }
0x51: {  	_ =	shalt  }
0x52: {  	_ =	shalt  }
0x53: {  	_ =	shalt  }
0x54: {  	_ =	shalt  }
0x55: {  	_ =	shalt  }
0x56: {  	_ =	shalt  }
0x57: {  	_ =	shalt  }
0x58: {  	_ =	shalt  }
0x59: {  	_ =	shalt  }
0x5a: {  	_ =	shalt  }
0x5b: {  	_ =	shalt  }
0x5c: {  	_ =	shalt  }
0x5d: {  	_ =	shalt  }
0x5e: {  	_ =	shalt  }
0x5f: {  	_ =	shalt  }
0x60: {  	_ =	shalt  }
0x61: {  	_ =	shalt  }
0x62: {  	_ =	shalt  }
0x63: {  	_ =	shalt  }
0x64: {  	_ =	shalt  }
0x65: {  	_ =	shalt  }
0x66: {  	_ =	shalt  }
0x67: {  	_ =	shalt  }
0x68: {  	_ =	shalt  }
0x69: {  	_ =	shalt  }
0x6a: {  	_ =	shalt  }
0x6b: {  	_ =	shalt  }
0x6c: {  	_ =	shalt  }
0x6d: {  	_ =	shalt  }
0x6e: {  	_ =	shalt  }
0x6f: {  	_ =	shalt  }
0x70: {  	_ =	shalt  }
0x71: {  	_ =	shalt  }
0x72: {  	_ =	shalt  }
0x73: {  	_ =	shalt  }
0x74: {  	_ =	shalt  }
0x75: {  	_ =	shalt  }
0x76: {  	_ =	shalt  }
0x77: {  	_ =	shalt  }
0x78: {  	_ =	shalt  }
0x79: {  	_ =	shalt  }
0x7a: {  	_ =	shalt  }
0x7b: {  	_ =	shalt  }
0x7c: {  	_ =	shalt  }
0x7d: {  	_ =	shalt  }
0x7e: {  	_ =	shalt  }
0x7f: {  	_ =	shalt  }
0x80: {  	_ =	shalt  }
0x81: {  	_ =	shalt  }
0x82: {  	_ =	shalt  }
0x83: {  	_ =	shalt  }
0x84: {  	_ =	shalt  }
0x85: {  	_ =	shalt  }
0x86: {  	_ =	shalt  }
0x87: {  	_ =	shalt  }
.Lfunc_end0:
.L_simem_size_0:
called_computation_lowered:
.L_overlay_start_0:
0x88: {  	s2 =	sld [smem:$0x3FD9]  }
0x89: {  	s3 =	sld [smem:$0x3FFE];
	_ =	sdelay $0x1  }
0x8a: {  	s1 =	srdreg.scid  }
0x8b: {  	s0 =	sand.u32 $0x1, s1  }
0x8c: {  	s17 =	sshll.u32 s0, $0xA;
	s2 =	sadd.s32 s3, s2  }
0x8d: {  	s2 =	sadd.s32 s2, s17  }
0x8e: {  	[smem:$0x3FC2] =	sst s2  }
0x8f: {  	_ = 	snop  }
0x90: {  	s2 =	sld [smem:$0x3FD0];
	(tm) =	ssettm $0x1  }
0x91: {  	s18 =	sld [smem:$0x3FFB];
	_ =	sdelay $0x3  }
0x92: {  	_ =	strace s18  }
0x93: {  	s3 =	sld [smem:$0x3FFC];
	_ =	sdelay $0x3  }
0x94: {  	_ =	strace s3  }
0x95: {  	s3 =	sld [smem:$0x3FFD];
	_ =	sdelay $0x3  }
0x96: {  	_ =	strace s3  }
0x97: {  	_ =	strace $0x8FFFFFFF  }
0x98: {  	s19 =	sld [smem:$0x3FDB];
	_ =	sdelay $0x1  }
0x99: {  	s4 =	simm.s32 $_scs_section_size  }
0x9a: {  	s5 =	simm.s32 $_size__tile_overlayer_lowered;
	s6 =	simm.s32 $_tile_overlayer_lowered  }
0x9b: {  	s22 =	simm.s32 $0x1BFF;
	s21 =	sshll.u32 s6, $0x1;
	s3 =	sadd.s32 s4, s19  }
0x9c: {  	s7 =	simm.s32 $0x0;
	s20 =	sshll.u32 s5, $0x1;
	s5 =	sadd.s32 s21, s3  }
0x9d: {  	[timem:s7], [sflag:s22] =	dma.local [hbm:s5], s20  }
0x9e: {  	_ =	swait.ge [sflag:s22], s20  }
0x9f: {  	s4 =	ssub.s32 $0x0, s20;
	[sflag:s22] =	ssyncset.done $0x0  }
0xa0: {  	[sflag:s22] =	ssyncadd.s32 s4;
	_ =	sdelay $0x1  }
0xa1: {  	s23 =	simm.s32 $0x1B8B  }
0xa2: {  	_ =	swait.ge [sflag:s23], $0x1  }
0xa3: {  	[sflag:s23] =	ssyncset.done $0x0  }
0xa4: {  	s25 =	simm.s32 $0x1B8E;
	s24 =	sld [smem:$0x3FFE];
	[sflag:s23] =	ssyncadd.s32 $0xFFFFFFFF  }
0xa5: {  	s26 =	simm.s32 $execute0_lowered;
	[smem:$0x3FD2] =	sst s25  }
0xa6: {  	s5 =	sshll.u32 s26, $0x1;
	_ =	strace $0x80000046;
	[dreg:$0x1] =	wrdreg $0xFFFFFFFF  }
0xa7: {  	s28 =	simm.s32 $_size_execute0_lowered;
	s3 =	sadd.s32 s3, s5;
	[dreg:$0x0] =	wrdreg $0x0  }
0xa8: {  	s5 =	sshll.u32 s28, $0x1;
	[dreg:$0x2] =	wrdreg s3  }
0xa9: {  	[dreg:$0x3] =	wrdreg s5  }
0xaa: {  	[dreg:$0x4] =	wrdreg $0xC0  }
0xab: {  	_ =	task [dreg:s7], $0x5FFFF  }
0xac: {  	[dreg:$0x1] =	wrdreg $0xFFFFFFFF  }
0xad: {  	[dreg:$0x0] =	wrdreg $0x60  }
0xae: {  	[dreg:$0x2] =	wrdreg s24  }
0xaf: {  	[dreg:$0x3] =	wrdreg s2  }
0xb0: {  	[dreg:$0x4] =	wrdreg $0x57800  }
0xb1: {  	[dreg:$0x5] =	wrdreg $0x9  }
0xb2: {  	_ =	task.clear_ibuf [dreg:s7], $0x6FFFF;
	_ =	strace $0x90000046  }
0xb3: {  	s29 =	simm.s32 $0x9;
	_ =	strace $0x80000048  }
0xb4: {  	_ =	swait.ge [sflag:s29], $0x1  }
0xb5: {  	[sflag:s29] =	ssyncadd.s32 $0xFFFFFFFF  }
0xb6: {  	_ =	strace $0x90000048  }
0xb7: {  	_ =	sfence  }
0xb8: {  	s30 =	sld [smem:$0x0];
	_ =	sdelay $0x2  }
0xb9: {  	s31 =	sshll.u32 s1, $0xD;
	s1 =	sshrl.u32 s1, $0x2  }
0xba: {  	s3 =	sand.u32 $0x4000, s31;
	s1 =	sadd.s32 s1, s30  }
0xbb: {  	s0 =	sor.u32 s3, s0;
	s1 =	sshll.u32 s1, $0x11  }
0xbc: {  	s0 =	sor.u32 s1, s0  }
0xbd: {  	s0 =	sadd.s32 $0x8F2B, s0  }
0xbe: {  	[sflag:s0] =	ssyncadd.remote.s32 $0x1  }
0xbf: {  	_ =	sfence.sel $0xFFFF  }
0xc0: {  	[dreg:$0x0] =	wrdreg $0xFFFFFFFF;
	(pc) =	sbr.abs _section_cstart, $3  }
0xc1: {  	[dreg:$0x1] =	wrdreg $0xFFFFFFFF  }
0xc2: {  	_ =	task.clear_ibuf [dreg:s7], $0x2FFFF;
	_ =	strace $0x9FFFFFFF  }
0xc3: {  	(tm) =	ssettm $0x7FFFFFFF  }
tec
execute0_lowered:
.L_overlay_start_1:
0x0: {  	(tag) =	ssettag $0x1  }
0x1: {  	s4 =	rddreg [dreg:$0x0]  }
0x2: {  	s6 =	rddreg [dreg:$0x1];
	s0 =	srdreg.scid  }
0x3: {  	s2 =	rddreg [dreg:$0x2];
	s1 =	stileid.u32;
	s3 =	simm.s32 $0x0  }
0x4: {  	s11 =	simm.s32 $0x80;
	s5 =	sand.u32 $0x1, s0;
	s0 =	rddreg [dreg:$0x3]  }
0x5: {  	s12 =	simm.s32 $0x2780;
	s8 =	smul.u32 $0x2800, s1;
	[smem:$0x7FF] =	sst s3  }
0x6: {  	s13 =	sshll.u32 s1, $0x6;
	s7 =	sshll.u32 s5, $0x4;
	s9 =	smul.u32 $0x28000, s5  }
0x7: {  	s5 =	ssub.s32 $0x2, s5;
	_ =	strace $0x80000047;
	s7 =	sor.u32 s1, s7  }
0x8: {  	s10 =	sshrl.u32 s5, $0x1;
	s7 =	smul.u32 $0x4F0, s7;
	s9 =	sadd.s32 s8, s9  }
0x9: {  	s13 =	sor.u32 $0x1C02, s13;
	s10 =	ssub.s32 s5, s10;
	s9 =	sshrl.u32 s9, $0x3  }
0xa: {  	s7 =	sadd.s32 s7, s4;
	s4 =	sadd.s32 s8, s2;
	s6 =	sadd.s32 s6, s9  }
0xb: {  	s8 =	simm.s32 $0x2F80;
	s9 =	simm.s32 $0x2;
	s5 =	sadd.s32 $0x1E00, s7  }
0xc: {  	v0 =	vimm.f32 $0.0e+00;
	v1 =	vimm.f32 $1.000000000e+00;
	s7 =	smax.u32 s10, $0x1;
	s10 =	simm.s32 $0x1;
	s14 =	sshrl.u32 s4, $0x3  }
.LBB2_1:
0xd: {  	s15 =	simm.s32 $0x0  }
.LBB2_2:
0xe: {  	p0 =	sne.s32 s15, $0x9FC0  }
.Ltmp0:
0xf: {  	_ = 	snop;
	(pc) =	sbr.rel @p0 .LBB2_2-.Ltmp0, $3  }
0x10: {  	_ =	sdelay $0x1  }
0x11: {  	s16 =	sshra.s32 s15, $0x2  }
0x12: {  	s15 =	sadd.s32 $0x40, s15;
	[tilespmem:s16+$0x2F80] =	vst v0  }
0x13: {  	s15 =	simm.s32 $0x40;
	s16 =	simm.s32 $0x0  }
.LBB2_4:
0x14: {  	p0 =	sne.s32 s15, $0x1FC0;
	[tilespmem:s16+$0x2780] =	vst v1;
	s16 =	smov.u32 s15;
	s15 =	sadd.s32 $0x40, s15  }
.Ltmp1:
0x15: {  	(pc) =	sbr.rel @p0 .LBB2_4-.Ltmp1, $2  }
0x16: {  	_ =	sdelay $0x2  }
0x17: {  	s16 =	sshra.s32 s16, $0x2  }
0x18: {  	[tilespmem:s16+$0x2780] =	vst v1  }
0x19: {  	[spmem:s4] =	stream.linear.scatter [tilespmem:s8], [sflag:$0x2], $0x2800, $0x38;
	[tilespmem:$0x7F80] =	vst v63  }
0x1a: {  	_ =	swait.ge [sflag:s9], $0x2800  }
0x1b: {  	[sflag:s9] =	ssyncset.done $0x0  }
0x1c: {  	s15 =	simm.s32 $0x0;
	[sflag:s9] =	ssyncadd.s32 $0xFFFFD800  }
0x1d: {  	[tilespmem:s15], [sflag:$0x1] =	stream.linear.gather [hbm4b:s5+s15], $0x2780, $0x38;
	[tilespmem:$0x7F80] =	vst v63  }
0x1e: {  	_ =	swait.ge [sflag:s10], $0x2780  }
0x1f: {  	[sflag:s10] =	ssyncset.done $0x0  }
0x20: {  	[sflag:s10] =	ssyncadd.s32 $0xFFFFD880  }
0x21: {  	s31 =	simm.s32 $0x0;
	[bflag:$0x0] =	sbarrier.arrive $0xFFFF  }
0x22: {  	[spmem:s2] =	stream.indirect.scatter.add.f32 [tilespmem:s12], [sflag:$0x2], $0x10, s31, s11, $0xb8;
	[tilespmem:$0x7F80] =	vst v63  }
0x23: {  	_ =	swait.ge [sflag:s9], $0x800  }
0x24: {  	s15 =	simm.s32 $0x200;
	[sflag:s9] =	ssyncset.done $0x0  }
.LBB2_6:
0x25: {  	s16 =	sshra.s32 s15, $0x2;
	[sflag:s9] =	ssyncadd.s32 $0xFFFFF800;
	p0 =	sne.s32 s15, $0x9C00  }
0x26: {  	[spmem:s2] =	stream.indirect.scatter.add.f32 [tilespmem:s12], [sflag:$0x2], $0x10, s16, s11, $0xb8;
	[tilespmem:$0x7F80] =	vst v63  }
.Ltmp2:
0x27: {  	_ = 	snop;
	(pc) =	sbr.rel @p0 .LBB2_6-.Ltmp2, $4  }
0x28: {  	_ = 	snop  }
0x29: {  	s15 =	sadd.s32 $0x200, s15  }
0x2a: {  	_ =	swait.ge [sflag:s9], $0x800  }
0x2b: {  	[sflag:s9] =	ssyncset.done $0x0  }
0x2c: {  	s3 =	sadd.s32 $0x1, s3  }
0x2d: {  	[sflag:s9] =	ssyncadd.s32 $0xFFFFF800;
	p0 =	sne.s32 s3, s7  }
.Ltmp3:
0x2e: {  	[bflag:$0x0] =	sbarrier.arrive $0xFFFF;
	(pc) =	sbr.rel @p0 .LBB2_1-.Ltmp3, $4  }
0x2f: {  	[hbm:s6], [sflag:s13] =	dma.local [spmem:s14], $0x500  }
0x30: {  	_ =	swait.ge [sflag:s9], $0x500  }
0x31: {  	[sflag:s9] =	ssyncset.done $0x0  }
0x32: {  	[sflag:s9] =	ssyncadd.s32 $0xFFFFFB00  }
0x33: {  	_ =	sfence.sel $0x180000  }
0x34: {  	[bflag:$0x0] =	sbarrier.arrive $0xFFFF  }
0x35: {  	p0 =	sne.s32 s1, $0x0;
	_ =	strace $0x90000047  }
0x36: {  	s0 =	sadd.s32 @!p0 $0x100000, s0;
	[bflag:$0x2] =	sbarrier.arrive $0xFFFF  }
0x37: {  	[sflag:s0] =	ssyncadd.tile.s32 @!p0 $0x1;
	_ =	shalt  }
.Lfunc_end2:
_tile_overlayer_lowered:
.L_overlay_start_2:
0x38: {  	(tag) =	ssettag $0x2  }
0x39: {  	s0 =	rddreg [dreg:$0x0];
	s2 =	stileid.u32  }
0x3a: {  	s1 =	rddreg [dreg:$0x1];
	p0 =	sne.s32 s2, $0x0  }
0x3b: {  	s3 =	rddreg [dreg:$0x2];
	[bflag:$0x3] =	sbarrier.arrive $0xFFFF;
	s2 =	simm.s32 @!p0 $0x1C02  }
0x3c: {  	[timem:s3], [sflag:s2] =	dma.local @!p0 [hbm:s0], s1  }
0x3d: {  	s0 =	simm.s32 @!p0 $0x2  }
0x3e: {  	_ =	swait.ge @!p0 [sflag:s0], s1  }
0x3f: {  	s1 =	ssub.s32 @!p0 $0x0, s1;
	[sflag:s0] =	ssyncset.done @!p0 $0x0  }
0x40: {  	[sflag:s0] =	ssyncadd.s32 @!p0 s1  }
0x41: {  	[bflag:$0x3] =	sbarrier.arrive $0xFFFF  }
0x42: {  	_ =	shalt  }

</sc_bundles>
